<compile_context>
chip_gen: v7x
topology: tpu7x:2x2x1
jax: 0.10.2.dev20260603
libtpu: 0.0.44.dev20260713+nightly
codegen_flags: <defaults>
</compile_context>

<pallas_src>
import functools

import jax
import jax.numpy as jnp
from jax import lax
from jax.experimental import pallas as pl
from jax.experimental.pallas import tpu as pltpu
from jax.experimental.pallas import tpu_sc as plsc

N = 10000
E = 320000
D = 128
NC = 2
NS = 16
K = 80
NB = 16
NP = 10240
NCHUNK = 256
EP = NCHUNK * NS * K
NBATCH = NCHUNK // NB
NTAIL = 0
RPW = NP // NS

_mesh = plsc.VectorSubcoreMesh(core_axis_name="c", subcore_axis_name="s")


@functools.partial(
    pl.kernel,
    out_type=(
        jax.ShapeDtypeStruct((NC, NP, D), jnp.float32),
        jax.ShapeDtypeStruct((NC, NP, D), jnp.float32),
    ),
    mesh=_mesh,
    scratch_types=(
        pltpu.VMEM_SHARED((NP, D), jnp.float32),
        pltpu.VMEM((NB, K), jnp.int32),
        pltpu.VMEM((NB, K), jnp.int32),
        pltpu.VMEM((K, D), jnp.float32),
        pltpu.VMEM((K, D), jnp.float32),
        pltpu.SemaphoreType.DMA,
        pltpu.SemaphoreType.DMA,
        pltpu.SemaphoreType.DMA,
    ),
)
def _segment_sums(srcs2d, dsts2d, lbls, zrows, ones_in,
                  out_sums, out_cnts,
                  acc_sh, src_b, dst_b, rows0, rows1, sem0, sem1, sem2):
    c = lax.axis_index("c")
    s = lax.axis_index("s")
    r0 = pl.multiple_of(s * RPW, 8)
    row_base = c * (NCHUNK * NS) + s * NCHUNK
    rowsb = (rows0, rows1)
    semb = (sem0, sem1)

    def load_batch(i, n, with_src=True):
        roff = pl.multiple_of(row_base + i * NB, 8)
        if with_src:
            pltpu.sync_copy(srcs2d.at[pl.ds(roff, n)], src_b.at[pl.ds(0, n)])
        pltpu.sync_copy(dsts2d.at[pl.ds(roff, n)], dst_b.at[pl.ds(0, n)])

    def start_gather(j, b):
        pltpu.async_copy(lbls.at[src_b.at[j]], rowsb[b], semb[b])

    def wait_gather(j, b):
        pltpu.make_async_copy(lbls.at[src_b.at[j]], rowsb[b], semb[b]).wait()

    def start_scatter(j, b):
        pltpu.async_copy(rowsb[b], acc_sh.at[dst_b.at[j]], sem2, add=True)

    def wait_scatter(j, b):
        pltpu.make_async_copy(rowsb[b], acc_sh.at[dst_b.at[j]], sem2).wait()

    pltpu.sync_copy(zrows, acc_sh.at[pl.ds(r0, RPW)])
    plsc.subcore_barrier()

    def batch_a(i, carry):
        load_batch(i, NB)
        for j in range(NB):
            b = j % 2
            if j >= 2:
                wait_scatter(j - 2, b)
            start_gather(j, b)
            if j >= 1:
                wait_gather(j - 1, 1 - b)
                start_scatter(j - 1, 1 - b)
        wait_gather(NB - 1, (NB - 1) % 2)
        start_scatter(NB - 1, (NB - 1) % 2)
        wait_scatter(NB - 2, (NB - 2) % 2)
        wait_scatter(NB - 1, (NB - 1) % 2)
        return carry

    lax.fori_loop(0, NBATCH, batch_a, 0)
    if NTAIL:
        load_batch(NBATCH, NTAIL)
        start_gather(0, 0)
        for j in range(1, NTAIL):
            start_gather(j, j % 2)
            finish_scatter(j - 1, (j - 1) % 2)
        finish_scatter(NTAIL - 1, (NTAIL - 1) % 2)
    plsc.subcore_barrier()
    pltpu.sync_copy(acc_sh.at[pl.ds(r0, RPW)], out_sums.at[c, pl.ds(r0, RPW)])
    plsc.subcore_barrier()

    pltpu.sync_copy(zrows, acc_sh.at[pl.ds(r0, RPW)])
    pltpu.sync_copy(ones_in, rows0)
    plsc.subcore_barrier()

    DEPTH = 4

    def start_count(j):
        pltpu.async_copy(rows0, acc_sh.at[dst_b.at[j]], sem0, add=True)

    def wait_count(j):
        pltpu.make_async_copy(rows0, acc_sh.at[dst_b.at[j]], sem0).wait()

    def batch_b(i, carry):
        load_batch(i, NB, with_src=False)
        for j in range(NB):
            if j >= DEPTH:
                wait_count(j - DEPTH)
            start_count(j)
        for j in range(NB - DEPTH, NB):
            wait_count(j)
        return carry

    lax.fori_loop(0, NBATCH, batch_b, 0)
    plsc.subcore_barrier()
    pltpu.sync_copy(acc_sh.at[pl.ds(r0, RPW)], out_cnts.at[c, pl.ds(r0, RPW)])


_BR = 1000


def _combine_body(lbls_ref, mask_ref, s1_ref, c1_ref, s2_ref, c2_ref, o_ref):
    c1 = jnp.maximum(c1_ref[:, 0:1], 1.0)
    c2 = jnp.maximum(c2_ref[:, 0:1], 1.0)
    mean = (s1_ref[...] / c1 + s2_ref[...] / c2) * 0.5
    o_ref[...] = jnp.where(mask_ref[...] > 0, mean, lbls_ref[...])


def _pad_set(knn):
    npad = EP - E
    ar = jnp.arange(npad, dtype=jnp.int32)
    src = jnp.concatenate([knn[0], ar % N])
    dst = jnp.concatenate([knn[1], N + ar % (NP - N)])
    return src, dst


def kernel(lbls, no_lbl_idx, knn_sc, knn_fc):
    s1, d1 = _pad_set(knn_sc)
    s2, d2 = _pad_set(knn_fc)
    srcs2d = jnp.concatenate([s1, s2]).reshape(NC * NS * NCHUNK, K)
    dsts2d = jnp.concatenate([d1, d2]).reshape(NC * NS * NCHUNK, K)
    zrows = jnp.zeros((RPW, D), jnp.float32)
    ones = jnp.ones((K, D), jnp.float32)
    sums, cnts = _segment_sums(srcs2d, dsts2d, lbls, zrows, ones)

    mask2d = no_lbl_idx.astype(jnp.int32).reshape(N, 1)
    return pl.pallas_call(
        _combine_body,
        out_shape=jax.ShapeDtypeStruct((N, D), jnp.float32),
        grid=(N // _BR,),
        in_specs=[
            pl.BlockSpec((_BR, D), lambda i: (i, 0)),
            pl.BlockSpec((_BR, 1), lambda i: (i, 0)),
            pl.BlockSpec((_BR, D), lambda i: (i, 0)),
            pl.BlockSpec((_BR, D), lambda i: (i, 0)),
            pl.BlockSpec((_BR, D), lambda i: (i, 0)),
            pl.BlockSpec((_BR, D), lambda i: (i, 0)),
        ],
        out_specs=pl.BlockSpec((_BR, D), lambda i: (i, 0)),
    )(lbls, mask2d, sums[0], cnts[0], sums[1], cnts[1])

# --- scband reference (transcript-rebuilt; emitter-appended) ---
"""Pipeline reference for scband-label-prop-6622839570803 (READ-ONLY COPY).

The authoritative reference and input builder live on the scoring server;
editing this copy changes nothing except your own understanding.
"""

import jax, jax.numpy as jnp
import numpy as np

N = 10000
E = 320000
D = 128


def setup_inputs(seed: int = 0) -> dict:
    key = jax.random.key(seed)
    k1, k2, k3, k4 = jax.random.split(key, 4)
    lbls = jax.random.normal(k1, (N, D), dtype=jnp.float32)
    no_lbl_idx = jax.random.randint(k2, (N,), 0, 2).astype(jnp.bool_)
    knn_sc = jax.random.randint(k3, (2, E), 0, N, dtype=jnp.int32)
    knn_fc = jax.random.randint(k4, (2, E), 0, N, dtype=jnp.int32)
    return {"lbls": lbls, "no_lbl_idx": no_lbl_idx, "knn_sc": knn_sc, "knn_fc": knn_fc}


def _fusion(lbls, edge_index, null_mask):
    # DGL in_edges(v=null nodes) + scatter-mean over dst is equivalent to a full
    # scatter-mean over all edges followed by selecting the null rows, since rows
    # whose dst is not null are overwritten back to their original labels.
    src = edge_index[0]
    dst = edge_index[1]
    n = lbls.shape[0]
    msgs = lbls[src]  # gather: [E, D]
    sums = jax.ops.segment_sum(msgs, dst, num_segments=n)  # scatter-add
    cnt = jax.ops.segment_sum(jnp.ones((edge_index.shape[1],), dtype=lbls.dtype), dst, num_segments=n)
    mean = sums / jnp.maximum(cnt, 1.0)[:, None]  # scatter 'mean' (0 for empty segments)
    return jnp.where(null_mask[:, None], mean, lbls)


def reference(lbls, no_lbl_idx, knn_sc, knn_fc):
    lbls1 = _fusion(lbls, knn_sc, no_lbl_idx)
    lbls2 = _fusion(lbls, knn_fc, no_lbl_idx)
    return (lbls1 + lbls2) / 2.0

if __name__ == "__main__":
    import jax
    _d = setup_inputs()
    print(jax.jit(kernel)(*tuple(_d.values())))

</pallas_src>

<mosaic_0001>
#map = affine_map<(d0, d1) -> (0, 0)>
#map1 = affine_map<(d0, d1) -> (0, 0, 0)>
module attributes {stable_mosaic.version = 14 : i64} {
  func.func @_segment_sums(%arg0: i32, %arg1: i32, %arg2: memref<8192x80xi32, #tpu.memory_space<hbm>>, %arg3: memref<8192x80xi32, #tpu.memory_space<hbm>>, %arg4: memref<10000x128xf32, #tpu.memory_space<hbm>>, %arg5: memref<640x128xf32, #tpu.memory_space<hbm>>, %arg6: memref<80x128xf32, #tpu.memory_space<hbm>>, %arg7: memref<2x10240x128xf32, #tpu.memory_space<hbm>>, %arg8: memref<2x10240x128xf32, #tpu.memory_space<hbm>>, %arg9: memref<10240x128xf32, #tpu.memory_space<vmem_shared>>, %arg10: memref<16x80xi32, #tpu.memory_space<vmem>>, %arg11: memref<16x80xi32, #tpu.memory_space<vmem>>, %arg12: memref<80x128xf32, #tpu.memory_space<vmem>>, %arg13: memref<80x128xf32, #tpu.memory_space<vmem>>, %arg14: memref<!tpu.dma_semaphore, #tpu.memory_space<semaphore_mem>>, %arg15: memref<!tpu.dma_semaphore, #tpu.memory_space<semaphore_mem>>, %arg16: memref<!tpu.dma_semaphore, #tpu.memory_space<semaphore_mem>>) attributes {dimension_semantics = [#tpu.dimension_semantics<core_parallel>, #tpu.dimension_semantics<subcore_parallel>], iteration_bounds = array<i64: 2, 16>, scalar_prefetch = 0 : i64, scratch_operands = 8 : i64, tpu.core_type = #tpu.core_type<sc_vector_subcore>, window_params = [{transform_indices = #map}, {transform_indices = #map}, {transform_indices = #map}, {transform_indices = #map}, {transform_indices = #map}, {transform_indices = #map1}, {transform_indices = #map1}]} {
    %mul3A = arith.constant 640 : i32
    %mul3A_0 = arith.muli %arg1, %mul3A : i32
    %multiple_of3A = tpu.assume_multiple %mul3A_0, 8 : i32
    %mul3A_1 = arith.constant 4096 : i32
    %mul3A_2 = arith.muli %arg0, %mul3A_1 : i32
    %mul3A_3 = arith.constant 256 : i32
    %mul3A_4 = arith.muli %arg1, %mul3A_3 : i32
    %add3A = arith.addi %mul3A_2, %mul3A_4 : i32
    "tpu.region"() ({
      %run_scoped3A = tpu.sem_alloc : memref<!tpu.dma_semaphore, #tpu.memory_space<semaphore_mem>>
      %dma_start3A = arith.constant 0 : i32
      %dma_start3A_20 = tpu.memref_slice %arg9[%multiple_of3A, %dma_start3A] : memref<10240x128xf32, #tpu.memory_space<vmem_shared>> -> memref<640x128xf32, #tpu.memory_space<vmem_shared>>
      tpu.enqueue_dma source(%arg5 : memref<640x128xf32, #tpu.memory_space<hbm>>) target(%dma_start3A_20 : memref<640x128xf32, #tpu.memory_space<vmem_shared>>) target_semaphore(%run_scoped3A : memref<!tpu.dma_semaphore, #tpu.memory_space<semaphore_mem>>)
      %dma_wait3A = arith.constant 0 : i32
      %dma_wait3A_21 = tpu.memref_slice %arg9[%multiple_of3A, %dma_wait3A] : memref<10240x128xf32, #tpu.memory_space<vmem_shared>> -> memref<640x128xf32, #tpu.memory_space<vmem_shared>>
      tpu.wait_dma2 semaphore(%run_scoped3A : memref<!tpu.dma_semaphore, #tpu.memory_space<semaphore_mem>>) src(%arg5 : memref<640x128xf32, #tpu.memory_space<hbm>>) dst(%dma_wait3A_21 : memref<640x128xf32, #tpu.memory_space<vmem_shared>>)
      tpu.yield
    }) : () -> ()
    %barrier3A = arith.constant 0 : index
    tpu.barrier barrier_id(%barrier3A)
    %scan3A = arith.constant 0 : i32
    %scan3A_5 = arith.constant 0 : i32
    %scan3A_6 = arith.constant 16 : i32
    %scan3A_7 = arith.addi %scan3A_5, %scan3A_6 : i32
    %scan3A_8 = arith.constant 1 : i32
    scf.for %scan3A_20 = %scan3A_5 to %scan3A_7 step %scan3A_8  : i32 {
      %mul3A_21 = arith.constant 16 : i32
      %mul3A_22 = arith.muli %scan3A_20, %mul3A_21 : i32
      %add3A_23 = arith.addi %add3A, %mul3A_22 : i32
      %multiple_of3A_24 = tpu.assume_multiple %add3A_23, 8 : i32
      "tpu.region"() ({
        %run_scoped3A = tpu.sem_alloc : memref<!tpu.dma_semaphore, #tpu.memory_space<semaphore_mem>>
        %dma_start3A_471 = arith.constant 0 : i32
        %dma_start3A_472 = arith.constant 0 : i32
        %dma_start3A_473 = tpu.memref_slice %arg10[%dma_start3A_471, %dma_start3A_472] : memref<16x80xi32, #tpu.memory_space<vmem>> -> memref<16x80xi32, #tpu.memory_space<vmem>>
        %dma_start3A_474 = arith.constant 0 : i32
        %dma_start3A_475 = tpu.memref_slice %arg2[%multiple_of3A_24, %dma_start3A_474] : memref<8192x80xi32, #tpu.memory_space<hbm>> -> memref<16x80xi32, #tpu.memory_space<hbm>>
        %dma_start3A_476 = arith.constant 0 : i32
        %dma_start3A_477 = arith.constant 0 : i32
        %dma_start3A_478 = tpu.memref_slice %arg10[%dma_start3A_476, %dma_start3A_477] : memref<16x80xi32, #tpu.memory_space<vmem>> -> memref<16x80xi32, #tpu.memory_space<vmem>>
        %dma_start3A_479 = arith.constant 0 : i32
        %dma_start3A_480 = tpu.memref_slice %arg2[%multiple_of3A_24, %dma_start3A_479] : memref<8192x80xi32, #tpu.memory_space<hbm>> -> memref<16x80xi32, #tpu.memory_space<hbm>>
        tpu.enqueue_dma source(%dma_start3A_480 : memref<16x80xi32, #tpu.memory_space<hbm>>) target(%dma_start3A_478 : memref<16x80xi32, #tpu.memory_space<vmem>>) target_semaphore(%run_scoped3A : memref<!tpu.dma_semaphore, #tpu.memory_space<semaphore_mem>>)
        %dma_wait3A_481 = arith.constant 0 : i32
        %dma_wait3A_482 = arith.constant 0 : i32
        %dma_wait3A_483 = tpu.memref_slice %arg10[%dma_wait3A_481, %dma_wait3A_482] : memref<16x80xi32, #tpu.memory_space<vmem>> -> memref<16x80xi32, #tpu.memory_space<vmem>>
        %dma_wait3A_484 = arith.constant 0 : i32
        %dma_wait3A_485 = tpu.memref_slice %arg2[%multiple_of3A_24, %dma_wait3A_484] : memref<8192x80xi32, #tpu.memory_space<hbm>> -> memref<16x80xi32, #tpu.memory_space<hbm>>
        %dma_wait3A_486 = arith.constant 0 : i32
        %dma_wait3A_487 = arith.constant 0 : i32
        %dma_wait3A_488 = tpu.memref_slice %arg10[%dma_wait3A_486, %dma_wait3A_487] : memref<16x80xi32, #tpu.memory_space<vmem>> -> memref<16x80xi32, #tpu.memory_space<vmem>>
        %dma_wait3A_489 = arith.constant 0 : i32
        %dma_wait3A_490 = tpu.memref_slice %arg2[%multiple_of3A_24, %dma_wait3A_489] : memref<8192x80xi32, #tpu.memory_space<hbm>> -> memref<16x80xi32, #tpu.memory_space<hbm>>
        tpu.wait_dma2 semaphore(%run_scoped3A : memref<!tpu.dma_semaphore, #tpu.memory_space<semaphore_mem>>) src(%dma_wait3A_490 : memref<16x80xi32, #tpu.memory_space<hbm>>) dst(%dma_wait3A_488 : memref<16x80xi32, #tpu.memory_space<vmem>>)
        tpu.yield
      }) : () -> ()
      "tpu.region"() ({
        %run_scoped3A = tpu.sem_alloc : memref<!tpu.dma_semaphore, #tpu.memory_space<semaphore_mem>>
        %dma_start3A_471 = arith.constant 0 : i32
        %dma_start3A_472 = arith.constant 0 : i32
        %dma_start3A_473 = tpu.memref_slice %arg11[%dma_start3A_471, %dma_start3A_472] : memref<16x80xi32, #tpu.memory_space<vmem>> -> memref<16x80xi32, #tpu.memory_space<vmem>>
        %dma_start3A_474 = arith.constant 0 : i32
        %dma_start3A_475 = tpu.memref_slice %arg3[%multiple_of3A_24, %dma_start3A_474] : memref<8192x80xi32, #tpu.memory_space<hbm>> -> memref<16x80xi32, #tpu.memory_space<hbm>>
        %dma_start3A_476 = arith.constant 0 : i32
        %dma_start3A_477 = arith.constant 0 : i32
        %dma_start3A_478 = tpu.memref_slice %arg11[%dma_start3A_476, %dma_start3A_477] : memref<16x80xi32, #tpu.memory_space<vmem>> -> memref<16x80xi32, #tpu.memory_space<vmem>>
        %dma_start3A_479 = arith.constant 0 : i32
        %dma_start3A_480 = tpu.memref_slice %arg3[%multiple_of3A_24, %dma_start3A_479] : memref<8192x80xi32, #tpu.memory_space<hbm>> -> memref<16x80xi32, #tpu.memory_space<hbm>>
        tpu.enqueue_dma source(%dma_start3A_480 : memref<16x80xi32, #tpu.memory_space<hbm>>) target(%dma_start3A_478 : memref<16x80xi32, #tpu.memory_space<vmem>>) target_semaphore(%run_scoped3A : memref<!tpu.dma_semaphore, #tpu.memory_space<semaphore_mem>>)
        %dma_wait3A_481 = arith.constant 0 : i32
        %dma_wait3A_482 = arith.constant 0 : i32
        %dma_wait3A_483 = tpu.memref_slice %arg11[%dma_wait3A_481, %dma_wait3A_482] : memref<16x80xi32, #tpu.memory_space<vmem>> -> memref<16x80xi32, #tpu.memory_space<vmem>>
        %dma_wait3A_484 = arith.constant 0 : i32
        %dma_wait3A_485 = tpu.memref_slice %arg3[%multiple_of3A_24, %dma_wait3A_484] : memref<8192x80xi32, #tpu.memory_space<hbm>> -> memref<16x80xi32, #tpu.memory_space<hbm>>
        %dma_wait3A_486 = arith.constant 0 : i32
        %dma_wait3A_487 = arith.constant 0 : i32
        %dma_wait3A_488 = tpu.memref_slice %arg11[%dma_wait3A_486, %dma_wait3A_487] : memref<16x80xi32, #tpu.memory_space<vmem>> -> memref<16x80xi32, #tpu.memory_space<vmem>>
        %dma_wait3A_489 = arith.constant 0 : i32
        %dma_wait3A_490 = tpu.memref_slice %arg3[%multiple_of3A_24, %dma_wait3A_489] : memref<8192x80xi32, #tpu.memory_space<hbm>> -> memref<16x80xi32, #tpu.memory_space<hbm>>
        tpu.wait_dma2 semaphore(%run_scoped3A : memref<!tpu.dma_semaphore, #tpu.memory_space<semaphore_mem>>) src(%dma_wait3A_490 : memref<16x80xi32, #tpu.memory_space<hbm>>) dst(%dma_wait3A_488 : memref<16x80xi32, #tpu.memory_space<vmem>>)
        tpu.yield
      }) : () -> ()
      %dma_start3A = arith.constant 0 : i32
      %dma_start3A_25 = arith.constant 0 : i32
      %dma_start3A_26 = tpu.memref_slice %arg10[%dma_start3A, %dma_start3A_25] : memref<16x80xi32, #tpu.memory_space<vmem>> -> memref<1x80xi32, #tpu.memory_space<vmem>>
      %dma_start3A_27 = tpu.memref_squeeze %dma_start3A_26 : memref<1x80xi32, #tpu.memory_space<vmem>> -> memref<80xi32, #tpu.memory_space<vmem>>
      %dma_start3A_28 = arith.constant 0 : i32
      %dma_start3A_29 = arith.constant 0 : i32
      %dma_start3A_30 = tpu.memref_slice %arg4[%dma_start3A_28, %dma_start3A_29] : memref<10000x128xf32, #tpu.memory_space<hbm>> -> memref<10000x128xf32, #tpu.memory_space<hbm>>
      tpu.enqueue_indirect_dma source(%dma_start3A_30 : memref<10000x128xf32, #tpu.memory_space<hbm>>) target(%arg12 : memref<80x128xf32, #tpu.memory_space<vmem>>) offsets(%dma_start3A_27 : memref<80xi32, #tpu.memory_space<vmem>>) semaphore(%arg14 : memref<!tpu.dma_semaphore, #tpu.memory_space<semaphore_mem>>)
      %dma_start3A_31 = arith.constant 1 : i32
      %dma_start3A_32 = arith.constant 0 : i32
      %dma_start3A_33 = tpu.memref_slice %arg10[%dma_start3A_31, %dma_start3A_32] : memref<16x80xi32, #tpu.memory_space<vmem>> -> memref<1x80xi32, #tpu.memory_space<vmem>>
      %dma_start3A_34 = tpu.memref_squeeze %dma_start3A_33 : memref<1x80xi32, #tpu.memory_space<vmem>> -> memref<80xi32, #tpu.memory_space<vmem>>
      %dma_start3A_35 = arith.constant 0 : i32
      %dma_start3A_36 = arith.constant 0 : i32
      %dma_start3A_37 = tpu.memref_slice %arg4[%dma_start3A_35, %dma_start3A_36] : memref<10000x128xf32, #tpu.memory_space<hbm>> -> memref<10000x128xf32, #tpu.memory_space<hbm>>
      tpu.enqueue_indirect_dma source(%dma_start3A_37 : memref<10000x128xf32, #tpu.memory_space<hbm>>) target(%arg13 : memref<80x128xf32, #tpu.memory_space<vmem>>) offsets(%dma_start3A_34 : memref<80xi32, #tpu.memory_space<vmem>>) semaphore(%arg15 : memref<!tpu.dma_semaphore, #tpu.memory_space<semaphore_mem>>)
      %dma_wait3A = arith.constant 0 : i32
      %dma_wait3A_38 = arith.constant 0 : i32
      %dma_wait3A_39 = tpu.memref_slice %arg10[%dma_wait3A, %dma_wait3A_38] : memref<16x80xi32, #tpu.memory_space<vmem>> -> memref<1x80xi32, #tpu.memory_space<vmem>>
      %dma_wait3A_40 = tpu.memref_squeeze %dma_wait3A_39 : memref<1x80xi32, #tpu.memory_space<vmem>> -> memref<80xi32, #tpu.memory_space<vmem>>
      %dma_wait3A_41 = arith.constant 0 : i32
      %dma_wait3A_42 = arith.constant 0 : i32
      %dma_wait3A_43 = tpu.memref_slice %arg4[%dma_wait3A_41, %dma_wait3A_42] : memref<10000x128xf32, #tpu.memory_space<hbm>> -> memref<10000x128xf32, #tpu.memory_space<hbm>>
      tpu.wait_indirect_dma semaphore(%arg14 : memref<!tpu.dma_semaphore, #tpu.memory_space<semaphore_mem>>) src(%dma_wait3A_43 : memref<10000x128xf32, #tpu.memory_space<hbm>>) dst(%arg12 : memref<80x128xf32, #tpu.memory_space<vmem>>)
      %dma_start3A_44 = arith.constant 0 : i32
      %dma_start3A_45 = arith.constant 0 : i32
      %dma_start3A_46 = tpu.memref_slice %arg11[%dma_start3A_44, %dma_start3A_45] : memref<16x80xi32, #tpu.memory_space<vmem>> -> memref<1x80xi32, #tpu.memory_space<vmem>>
      %dma_start3A_47 = tpu.memref_squeeze %dma_start3A_46 : memref<1x80xi32, #tpu.memory_space<vmem>> -> memref<80xi32, #tpu.memory_space<vmem>>
      %dma_start3A_48 = arith.constant 0 : i32
      %dma_start3A_49 = arith.constant 0 : i32
      %dma_start3A_50 = tpu.memref_slice %arg9[%dma_start3A_48, %dma_start3A_49] : memref<10240x128xf32, #tpu.memory_space<vmem_shared>> -> memref<10240x128xf32, #tpu.memory_space<vmem_shared>>
      tpu.enqueue_indirect_dma source(%arg12 : memref<80x128xf32, #tpu.memory_space<vmem>>) target(%dma_start3A_50 : memref<10240x128xf32, #tpu.memory_space<vmem_shared>>) offsets(%dma_start3A_47 : memref<80xi32, #tpu.memory_space<vmem>>) semaphore(%arg16 : memref<!tpu.dma_semaphore, #tpu.memory_space<semaphore_mem>>) {add = true}
      %dma_wait3A_51 = arith.constant 0 : i32
      %dma_wait3A_52 = arith.constant 0 : i32
      %dma_wait3A_53 = tpu.memref_slice %arg11[%dma_wait3A_51, %dma_wait3A_52] : memref<16x80xi32, #tpu.memory_space<vmem>> -> memref<1x80xi32, #tpu.memory_space<vmem>>
      %dma_wait3A_54 = tpu.memref_squeeze %dma_wait3A_53 : memref<1x80xi32, #tpu.memory_space<vmem>> -> memref<80xi32, #tpu.memory_space<vmem>>
      %dma_wait3A_55 = arith.constant 0 : i32
      %dma_wait3A_56 = arith.constant 0 : i32
      %dma_wait3A_57 = tpu.memref_slice %arg9[%dma_wait3A_55, %dma_wait3A_56] : memref<10240x128xf32, #tpu.memory_space<vmem_shared>> -> memref<10240x128xf32, #tpu.memory_space<vmem_shared>>
      tpu.wait_indirect_dma semaphore(%arg16 : memref<!tpu.dma_semaphore, #tpu.memory_space<semaphore_mem>>) src(%arg12 : memref<80x128xf32, #tpu.memory_space<vmem>>) dst(%dma_wait3A_57 : memref<10240x128xf32, #tpu.memory_space<vmem_shared>>)
      %dma_start3A_58 = arith.constant 2 : i32
      %dma_start3A_59 = arith.constant 0 : i32
      %dma_start3A_60 = tpu.memref_slice %arg10[%dma_start3A_58, %dma_start3A_59] : memref<16x80xi32, #tpu.memory_space<vmem>> -> memref<1x80xi32, #tpu.memory_space<vmem>>
      %dma_start3A_61 = tpu.memref_squeeze %dma_start3A_60 : memref<1x80xi32, #tpu.memory_space<vmem>> -> memref<80xi32, #tpu.memory_space<vmem>>
      %dma_start3A_62 = arith.constant 0 : i32
      %dma_start3A_63 = arith.constant 0 : i32
      %dma_start3A_64 = tpu.memref_slice %arg4[%dma_start3A_62, %dma_start3A_63] : memref<10000x128xf32, #tpu.memory_space<hbm>> -> memref<10000x128xf32, #tpu.memory_space<hbm>>
      tpu.enqueue_indirect_dma source(%dma_start3A_64 : memref<10000x128xf32, #tpu.memory_space<hbm>>) target(%arg12 : memref<80x128xf32, #tpu.memory_space<vmem>>) offsets(%dma_start3A_61 : memref<80xi32, #tpu.memory_space<vmem>>) semaphore(%arg14 : memref<!tpu.dma_semaphore, #tpu.memory_space<semaphore_mem>>)
      %dma_wait3A_65 = arith.constant 1 : i32
      %dma_wait3A_66 = arith.constant 0 : i32
      %dma_wait3A_67 = tpu.memref_slice %arg10[%dma_wait3A_65, %dma_wait3A_66] : memref<16x80xi32, #tpu.memory_space<vmem>> -> memref<1x80xi32, #tpu.memory_space<vmem>>
      %dma_wait3A_68 = tpu.memref_squeeze %dma_wait3A_67 : memref<1x80xi32, #tpu.memory_space<vmem>> -> memref<80xi32, #tpu.memory_space<vmem>>
      %dma_wait3A_69 = arith.constant 0 : i32
      %dma_wait3A_70 = arith.constant 0 : i32
      %dma_wait3A_71 = tpu.memref_slice %arg4[%dma_wait3A_69, %dma_wait3A_70] : memref<10000x128xf32, #tpu.memory_space<hbm>> -> memref<10000x128xf32, #tpu.memory_space<hbm>>
      tpu.wait_indirect_dma semaphore(%arg15 : memref<!tpu.dma_semaphore, #tpu.memory_space<semaphore_mem>>) src(%dma_wait3A_71 : memref<10000x128xf32, #tpu.memory_space<hbm>>) dst(%arg13 : memref<80x128xf32, #tpu.memory_space<vmem>>)
      %dma_start3A_72 = arith.constant 1 : i32
      %dma_start3A_73 = arith.constant 0 : i32
      %dma_start3A_74 = tpu.memref_slice %arg11[%dma_start3A_72, %dma_start3A_73] : memref<16x80xi32, #tpu.memory_space<vmem>> -> memref<1x80xi32, #tpu.memory_space<vmem>>
      %dma_start3A_75 = tpu.memref_squeeze %dma_start3A_74 : memref<1x80xi32, #tpu.memory_space<vmem>> -> memref<80xi32, #tpu.memory_space<vmem>>
      %dma_start3A_76 = arith.constant 0 : i32
      %dma_start3A_77 = arith.constant 0 : i32
      %dma_start3A_78 = tpu.memref_slice %arg9[%dma_start3A_76, %dma_start3A_77] : memref<10240x128xf32, #tpu.memory_space<vmem_shared>> -> memref<10240x128xf32, #tpu.memory_space<vmem_shared>>
      tpu.enqueue_indirect_dma source(%arg13 : memref<80x128xf32, #tpu.memory_space<vmem>>) target(%dma_start3A_78 : memref<10240x128xf32, #tpu.memory_space<vmem_shared>>) offsets(%dma_start3A_75 : memref<80xi32, #tpu.memory_space<vmem>>) semaphore(%arg16 : memref<!tpu.dma_semaphore, #tpu.memory_space<semaphore_mem>>) {add = true}
      %dma_wait3A_79 = arith.constant 1 : i32
      %dma_wait3A_80 = arith.constant 0 : i32
      %dma_wait3A_81 = tpu.memref_slice %arg11[%dma_wait3A_79, %dma_wait3A_80] : memref<16x80xi32, #tpu.memory_space<vmem>> -> memref<1x80xi32, #tpu.memory_space<vmem>>
      %dma_wait3A_82 = tpu.memref_squeeze %dma_wait3A_81 : memref<1x80xi32, #tpu.memory_space<vmem>> -> memref<80xi32, #tpu.memory_space<vmem>>
      %dma_wait3A_83 = arith.constant 0 : i32
      %dma_wait3A_84 = arith.constant 0 : i32
      %dma_wait3A_85 = tpu.memref_slice %arg9[%dma_wait3A_83, %dma_wait3A_84] : memref<10240x128xf32, #tpu.memory_space<vmem_shared>> -> memref<10240x128xf32, #tpu.memory_space<vmem_shared>>
      tpu.wait_indirect_dma semaphore(%arg16 : memref<!tpu.dma_semaphore, #tpu.memory_space<semaphore_mem>>) src(%arg13 : memref<80x128xf32, #tpu.memory_space<vmem>>) dst(%dma_wait3A_85 : memref<10240x128xf32, #tpu.memory_space<vmem_shared>>)
      %dma_start3A_86 = arith.constant 3 : i32
      %dma_start3A_87 = arith.constant 0 : i32
      %dma_start3A_88 = tpu.memref_slice %arg10[%dma_start3A_86, %dma_start3A_87] : memref<16x80xi32, #tpu.memory_space<vmem>> -> memref<1x80xi32, #tpu.memory_space<vmem>>
      %dma_start3A_89 = tpu.memref_squeeze %dma_start3A_88 : memref<1x80xi32, #tpu.memory_space<vmem>> -> memref<80xi32, #tpu.memory_space<vmem>>
      %dma_start3A_90 = arith.constant 0 : i32
      %dma_start3A_91 = arith.constant 0 : i32
      %dma_start3A_92 = tpu.memref_slice %arg4[%dma_start3A_90, %dma_start3A_91] : memref<10000x128xf32, #tpu.memory_space<hbm>> -> memref<10000x128xf32, #tpu.memory_space<hbm>>
      tpu.enqueue_indirect_dma source(%dma_start3A_92 : memref<10000x128xf32, #tpu.memory_space<hbm>>) target(%arg13 : memref<80x128xf32, #tpu.memory_space<vmem>>) offsets(%dma_start3A_89 : memref<80xi32, #tpu.memory_space<vmem>>) semaphore(%arg15 : memref<!tpu.dma_semaphore, #tpu.memory_space<semaphore_mem>>)
      %dma_wait3A_93 = arith.constant 2 : i32
      %dma_wait3A_94 = arith.constant 0 : i32
      %dma_wait3A_95 = tpu.memref_slice %arg10[%dma_wait3A_93, %dma_wait3A_94] : memref<16x80xi32, #tpu.memory_space<vmem>> -> memref<1x80xi32, #tpu.memory_space<vmem>>
      %dma_wait3A_96 = tpu.memref_squeeze %dma_wait3A_95 : memref<1x80xi32, #tpu.memory_space<vmem>> -> memref<80xi32, #tpu.memory_space<vmem>>
      %dma_wait3A_97 = arith.constant 0 : i32
      %dma_wait3A_98 = arith.constant 0 : i32
      %dma_wait3A_99 = tpu.memref_slice %arg4[%dma_wait3A_97, %dma_wait3A_98] : memref<10000x128xf32, #tpu.memory_space<hbm>> -> memref<10000x128xf32, #tpu.memory_space<hbm>>
      tpu.wait_indirect_dma semaphore(%arg14 : memref<!tpu.dma_semaphore, #tpu.memory_space<semaphore_mem>>) src(%dma_wait3A_99 : memref<10000x128xf32, #tpu.memory_space<hbm>>) dst(%arg12 : memref<80x128xf32, #tpu.memory_space<vmem>>)
      %dma_start3A_100 = arith.constant 2 : i32
      %dma_start3A_101 = arith.constant 0 : i32
      %dma_start3A_102 = tpu.memref_slice %arg11[%dma_start3A_100, %dma_start3A_101] : memref<16x80xi32, #tpu.memory_space<vmem>> -> memref<1x80xi32, #tpu.memory_space<vmem>>
      %dma_start3A_103 = tpu.memref_squeeze %dma_start3A_102 : memref<1x80xi32, #tpu.memory_space<vmem>> -> memref<80xi32, #tpu.memory_space<vmem>>
      %dma_start3A_104 = arith.constant 0 : i32
      %dma_start3A_105 = arith.constant 0 : i32
      %dma_start3A_106 = tpu.memref_slice %arg9[%dma_start3A_104, %dma_start3A_105] : memref<10240x128xf32, #tpu.memory_space<vmem_shared>> -> memref<10240x128xf32, #tpu.memory_space<vmem_shared>>
      tpu.enqueue_indirect_dma source(%arg12 : memref<80x128xf32, #tpu.memory_space<vmem>>) target(%dma_start3A_106 : memref<10240x128xf32, #tpu.memory_space<vmem_shared>>) offsets(%dma_start3A_103 : memref<80xi32, #tpu.memory_space<vmem>>) semaphore(%arg16 : memref<!tpu.dma_semaphore, #tpu.memory_space<semaphore_mem>>) {add = true}
      %dma_wait3A_107 = arith.constant 2 : i32
      %dma_wait3A_108 = arith.constant 0 : i32
      %dma_wait3A_109 = tpu.memref_slice %arg11[%dma_wait3A_107, %dma_wait3A_108] : memref<16x80xi32, #tpu.memory_space<vmem>> -> memref<1x80xi32, #tpu.memory_space<vmem>>
      %dma_wait3A_110 = tpu.memref_squeeze %dma_wait3A_109 : memref<1x80xi32, #tpu.memory_space<vmem>> -> memref<80xi32, #tpu.memory_space<vmem>>
      %dma_wait3A_111 = arith.constant 0 : i32
      %dma_wait3A_112 = arith.constant 0 : i32
      %dma_wait3A_113 = tpu.memref_slice %arg9[%dma_wait3A_111, %dma_wait3A_112] : memref<10240x128xf32, #tpu.memory_space<vmem_shared>> -> memref<10240x128xf32, #tpu.memory_space<vmem_shared>>
      tpu.wait_indirect_dma semaphore(%arg16 : memref<!tpu.dma_semaphore, #tpu.memory_space<semaphore_mem>>) src(%arg12 : memref<80x128xf32, #tpu.memory_space<vmem>>) dst(%dma_wait3A_113 : memref<10240x128xf32, #tpu.memory_space<vmem_shared>>)
      %dma_start3A_114 = arith.constant 4 : i32
      %dma_start3A_115 = arith.constant 0 : i32
      %dma_start3A_116 = tpu.memref_slice %arg10[%dma_start3A_114, %dma_start3A_115] : memref<16x80xi32, #tpu.memory_space<vmem>> -> memref<1x80xi32, #tpu.memory_space<vmem>>
      %dma_start3A_117 = tpu.memref_squeeze %dma_start3A_116 : memref<1x80xi32, #tpu.memory_space<vmem>> -> memref<80xi32, #tpu.memory_space<vmem>>
      %dma_start3A_118 = arith.constant 0 : i32
      %dma_start3A_119 = arith.constant 0 : i32
      %dma_start3A_120 = tpu.memref_slice %arg4[%dma_start3A_118, %dma_start3A_119] : memref<10000x128xf32, #tpu.memory_space<hbm>> -> memref<10000x128xf32, #tpu.memory_space<hbm>>
      tpu.enqueue_indirect_dma source(%dma_start3A_120 : memref<10000x128xf32, #tpu.memory_space<hbm>>) target(%arg12 : memref<80x128xf32, #tpu.memory_space<vmem>>) offsets(%dma_start3A_117 : memref<80xi32, #tpu.memory_space<vmem>>) semaphore(%arg14 : memref<!tpu.dma_semaphore, #tpu.memory_space<semaphore_mem>>)
      %dma_wait3A_121 = arith.constant 3 : i32
      %dma_wait3A_122 = arith.constant 0 : i32
      %dma_wait3A_123 = tpu.memref_slice %arg10[%dma_wait3A_121, %dma_wait3A_122] : memref<16x80xi32, #tpu.memory_space<vmem>> -> memref<1x80xi32, #tpu.memory_space<vmem>>
      %dma_wait3A_124 = tpu.memref_squeeze %dma_wait3A_123 : memref<1x80xi32, #tpu.memory_space<vmem>> -> memref<80xi32, #tpu.memory_space<vmem>>
      %dma_wait3A_125 = arith.constant 0 : i32
      %dma_wait3A_126 = arith.constant 0 : i32
      %dma_wait3A_127 = tpu.memref_slice %arg4[%dma_wait3A_125, %dma_wait3A_126] : memref<10000x128xf32, #tpu.memory_space<hbm>> -> memref<10000x128xf32, #tpu.memory_space<hbm>>
      tpu.wait_indirect_dma semaphore(%arg15 : memref<!tpu.dma_semaphore, #tpu.memory_space<semaphore_mem>>) src(%dma_wait3A_127 : memref<10000x128xf32, #tpu.memory_space<hbm>>) dst(%arg13 : memref<80x128xf32, #tpu.memory_space<vmem>>)
      %dma_start3A_128 = arith.constant 3 : i32
      %dma_start3A_129 = arith.constant 0 : i32
      %dma_start3A_130 = tpu.memref_slice %arg11[%dma_start3A_128, %dma_start3A_129] : memref<16x80xi32, #tpu.memory_space<vmem>> -> memref<1x80xi32, #tpu.memory_space<vmem>>
      %dma_start3A_131 = tpu.memref_squeeze %dma_start3A_130 : memref<1x80xi32, #tpu.memory_space<vmem>> -> memref<80xi32, #tpu.memory_space<vmem>>
      %dma_start3A_132 = arith.constant 0 : i32
      %dma_start3A_133 = arith.constant 0 : i32
      %dma_start3A_134 = tpu.memref_slice %arg9[%dma_start3A_132, %dma_start3A_133] : memref<10240x128xf32, #tpu.memory_space<vmem_shared>> -> memref<10240x128xf32, #tpu.memory_space<vmem_shared>>
      tpu.enqueue_indirect_dma source(%arg13 : memref<80x128xf32, #tpu.memory_space<vmem>>) target(%dma_start3A_134 : memref<10240x128xf32, #tpu.memory_space<vmem_shared>>) offsets(%dma_start3A_131 : memref<80xi32, #tpu.memory_space<vmem>>) semaphore(%arg16 : memref<!tpu.dma_semaphore, #tpu.memory_space<semaphore_mem>>) {add = true}
      %dma_wait3A_135 = arith.constant 3 : i32
      %dma_wait3A_136 = arith.constant 0 : i32
      %dma_wait3A_137 = tpu.memref_slice %arg11[%dma_wait3A_135, %dma_wait3A_136] : memref<16x80xi32, #tpu.memory_space<vmem>> -> memref<1x80xi32, #tpu.memory_space<vmem>>
      %dma_wait3A_138 = tpu.memref_squeeze %dma_wait3A_137 : memref<1x80xi32, #tpu.memory_space<vmem>> -> memref<80xi32, #tpu.memory_space<vmem>>
      %dma_wait3A_139 = arith.constant 0 : i32
      %dma_wait3A_140 = arith.constant 0 : i32
      %dma_wait3A_141 = tpu.memref_slice %arg9[%dma_wait3A_139, %dma_wait3A_140] : memref<10240x128xf32, #tpu.memory_space<vmem_shared>> -> memref<10240x128xf32, #tpu.memory_space<vmem_shared>>
      tpu.wait_indirect_dma semaphore(%arg16 : memref<!tpu.dma_semaphore, #tpu.memory_space<semaphore_mem>>) src(%arg13 : memref<80x128xf32, #tpu.memory_space<vmem>>) dst(%dma_wait3A_141 : memref<10240x128xf32, #tpu.memory_space<vmem_shared>>)
      %dma_start3A_142 = arith.constant 5 : i32
      %dma_start3A_143 = arith.constant 0 : i32
      %dma_start3A_144 = tpu.memref_slice %arg10[%dma_start3A_142, %dma_start3A_143] : memref<16x80xi32, #tpu.memory_space<vmem>> -> memref<1x80xi32, #tpu.memory_space<vmem>>
      %dma_start3A_145 = tpu.memref_squeeze %dma_start3A_144 : memref<1x80xi32, #tpu.memory_space<vmem>> -> memref<80xi32, #tpu.memory_space<vmem>>
      %dma_start3A_146 = arith.constant 0 : i32
      %dma_start3A_147 = arith.constant 0 : i32
      %dma_start3A_148 = tpu.memref_slice %arg4[%dma_start3A_146, %dma_start3A_147] : memref<10000x128xf32, #tpu.memory_space<hbm>> -> memref<10000x128xf32, #tpu.memory_space<hbm>>
      tpu.enqueue_indirect_dma source(%dma_start3A_148 : memref<10000x128xf32, #tpu.memory_space<hbm>>) target(%arg13 : memref<80x128xf32, #tpu.memory_space<vmem>>) offsets(%dma_start3A_145 : memref<80xi32, #tpu.memory_space<vmem>>) semaphore(%arg15 : memref<!tpu.dma_semaphore, #tpu.memory_space<semaphore_mem>>)
      %dma_wait3A_149 = arith.constant 4 : i32
      %dma_wait3A_150 = arith.constant 0 : i32
      %dma_wait3A_151 = tpu.memref_slice %arg10[%dma_wait3A_149, %dma_wait3A_150] : memref<16x80xi32, #tpu.memory_space<vmem>> -> memref<1x80xi32, #tpu.memory_space<vmem>>
      %dma_wait3A_152 = tpu.memref_squeeze %dma_wait3A_151 : memref<1x80xi32, #tpu.memory_space<vmem>> -> memref<80xi32, #tpu.memory_space<vmem>>
      %dma_wait3A_153 = arith.constant 0 : i32
      %dma_wait3A_154 = arith.constant 0 : i32
      %dma_wait3A_155 = tpu.memref_slice %arg4[%dma_wait3A_153, %dma_wait3A_154] : memref<10000x128xf32, #tpu.memory_space<hbm>> -> memref<10000x128xf32, #tpu.memory_space<hbm>>
      tpu.wait_indirect_dma semaphore(%arg14 : memref<!tpu.dma_semaphore, #tpu.memory_space<semaphore_mem>>) src(%dma_wait3A_155 : memref<10000x128xf32, #tpu.memory_space<hbm>>) dst(%arg12 : memref<80x128xf32, #tpu.memory_space<vmem>>)
      %dma_start3A_156 = arith.constant 4 : i32
      %dma_start3A_157 = arith.constant 0 : i32
      %dma_start3A_158 = tpu.memref_slice %arg11[%dma_start3A_156, %dma_start3A_157] : memref<16x80xi32, #tpu.memory_space<vmem>> -> memref<1x80xi32, #tpu.memory_space<vmem>>
      %dma_start3A_159 = tpu.memref_squeeze %dma_start3A_158 : memref<1x80xi32, #tpu.memory_space<vmem>> -> memref<80xi32, #tpu.memory_space<vmem>>
      %dma_start3A_160 = arith.constant 0 : i32
      %dma_start3A_161 = arith.constant 0 : i32
      %dma_start3A_162 = tpu.memref_slice %arg9[%dma_start3A_160, %dma_start3A_161] : memref<10240x128xf32, #tpu.memory_space<vmem_shared>> -> memref<10240x128xf32, #tpu.memory_space<vmem_shared>>
      tpu.enqueue_indirect_dma source(%arg12 : memref<80x128xf32, #tpu.memory_space<vmem>>) target(%dma_start3A_162 : memref<10240x128xf32, #tpu.memory_space<vmem_shared>>) offsets(%dma_start3A_159 : memref<80xi32, #tpu.memory_space<vmem>>) semaphore(%arg16 : memref<!tpu.dma_semaphore, #tpu.memory_space<semaphore_mem>>) {add = true}
      %dma_wait3A_163 = arith.constant 4 : i32
      %dma_wait3A_164 = arith.constant 0 : i32
      %dma_wait3A_165 = tpu.memref_slice %arg11[%dma_wait3A_163, %dma_wait3A_164] : memref<16x80xi32, #tpu.memory_space<vmem>> -> memref<1x80xi32, #tpu.memory_space<vmem>>
      %dma_wait3A_166 = tpu.memref_squeeze %dma_wait3A_165 : memref<1x80xi32, #tpu.memory_space<vmem>> -> memref<80xi32, #tpu.memory_space<vmem>>
      %dma_wait3A_167 = arith.constant 0 : i32
      %dma_wait3A_168 = arith.constant 0 : i32
      %dma_wait3A_169 = tpu.memref_slice %arg9[%dma_wait3A_167, %dma_wait3A_168] : memref<10240x128xf32, #tpu.memory_space<vmem_shared>> -> memref<10240x128xf32, #tpu.memory_space<vmem_shared>>
      tpu.wait_indirect_dma semaphore(%arg16 : memref<!tpu.dma_semaphore, #tpu.memory_space<semaphore_mem>>) src(%arg12 : memref<80x128xf32, #tpu.memory_space<vmem>>) dst(%dma_wait3A_169 : memref<10240x128xf32, #tpu.memory_space<vmem_shared>>)
      %dma_start3A_170 = arith.constant 6 : i32
      %dma_start3A_171 = arith.constant 0 : i32
      %dma_start3A_172 = tpu.memref_slice %arg10[%dma_start3A_170, %dma_start3A_171] : memref<16x80xi32, #tpu.memory_space<vmem>> -> memref<1x80xi32, #tpu.memory_space<vmem>>
      %dma_start3A_173 = tpu.memref_squeeze %dma_start3A_172 : memref<1x80xi32, #tpu.memory_space<vmem>> -> memref<80xi32, #tpu.memory_space<vmem>>
      %dma_start3A_174 = arith.constant 0 : i32
      %dma_start3A_175 = arith.constant 0 : i32
      %dma_start3A_176 = tpu.memref_slice %arg4[%dma_start3A_174, %dma_start3A_175] : memref<10000x128xf32, #tpu.memory_space<hbm>> -> memref<10000x128xf32, #tpu.memory_space<hbm>>
      tpu.enqueue_indirect_dma source(%dma_start3A_176 : memref<10000x128xf32, #tpu.memory_space<hbm>>) target(%arg12 : memref<80x128xf32, #tpu.memory_space<vmem>>) offsets(%dma_start3A_173 : memref<80xi32, #tpu.memory_space<vmem>>) semaphore(%arg14 : memref<!tpu.dma_semaphore, #tpu.memory_space<semaphore_mem>>)
      %dma_wait3A_177 = arith.constant 5 : i32
      %dma_wait3A_178 = arith.constant 0 : i32
      %dma_wait3A_179 = tpu.memref_slice %arg10[%dma_wait3A_177, %dma_wait3A_178] : memref<16x80xi32, #tpu.memory_space<vmem>> -> memref<1x80xi32, #tpu.memory_space<vmem>>
      %dma_wait3A_180 = tpu.memref_squeeze %dma_wait3A_179 : memref<1x80xi32, #tpu.memory_space<vmem>> -> memref<80xi32, #tpu.memory_space<vmem>>
      %dma_wait3A_181 = arith.constant 0 : i32
      %dma_wait3A_182 = arith.constant 0 : i32
      %dma_wait3A_183 = tpu.memref_slice %arg4[%dma_wait3A_181, %dma_wait3A_182] : memref<10000x128xf32, #tpu.memory_space<hbm>> -> memref<10000x128xf32, #tpu.memory_space<hbm>>
      tpu.wait_indirect_dma semaphore(%arg15 : memref<!tpu.dma_semaphore, #tpu.memory_space<semaphore_mem>>) src(%dma_wait3A_183 : memref<10000x128xf32, #tpu.memory_space<hbm>>) dst(%arg13 : memref<80x128xf32, #tpu.memory_space<vmem>>)
      %dma_start3A_184 = arith.constant 5 : i32
      %dma_start3A_185 = arith.constant 0 : i32
      %dma_start3A_186 = tpu.memref_slice %arg11[%dma_start3A_184, %dma_start3A_185] : memref<16x80xi32, #tpu.memory_space<vmem>> -> memref<1x80xi32, #tpu.memory_space<vmem>>
      %dma_start3A_187 = tpu.memref_squeeze %dma_start3A_186 : memref<1x80xi32, #tpu.memory_space<vmem>> -> memref<80xi32, #tpu.memory_space<vmem>>
      %dma_start3A_188 = arith.constant 0 : i32
      %dma_start3A_189 = arith.constant 0 : i32
      %dma_start3A_190 = tpu.memref_slice %arg9[%dma_start3A_188, %dma_start3A_189] : memref<10240x128xf32, #tpu.memory_space<vmem_shared>> -> memref<10240x128xf32, #tpu.memory_space<vmem_shared>>
      tpu.enqueue_indirect_dma source(%arg13 : memref<80x128xf32, #tpu.memory_space<vmem>>) target(%dma_start3A_190 : memref<10240x128xf32, #tpu.memory_space<vmem_shared>>) offsets(%dma_start3A_187 : memref<80xi32, #tpu.memory_space<vmem>>) semaphore(%arg16 : memref<!tpu.dma_semaphore, #tpu.memory_space<semaphore_mem>>) {add = true}
      %dma_wait3A_191 = arith.constant 5 : i32
      %dma_wait3A_192 = arith.constant 0 : i32
      %dma_wait3A_193 = tpu.memref_slice %arg11[%dma_wait3A_191, %dma_wait3A_192] : memref<16x80xi32, #tpu.memory_space<vmem>> -> memref<1x80xi32, #tpu.memory_space<vmem>>
      %dma_wait3A_194 = tpu.memref_squeeze %dma_wait3A_193 : memref<1x80xi32, #tpu.memory_space<vmem>> -> memref<80xi32, #tpu.memory_space<vmem>>
      %dma_wait3A_195 = arith.constant 0 : i32
      %dma_wait3A_196 = arith.constant 0 : i32
      %dma_wait3A_197 = tpu.memref_slice %arg9[%dma_wait3A_195, %dma_wait3A_196] : memref<10240x128xf32, #tpu.memory_space<vmem_shared>> -> memref<10240x128xf32, #tpu.memory_space<vmem_shared>>
      tpu.wait_indirect_dma semaphore(%arg16 : memref<!tpu.dma_semaphore, #tpu.memory_space<semaphore_mem>>) src(%arg13 : memref<80x128xf32, #tpu.memory_space<vmem>>) dst(%dma_wait3A_197 : memref<10240x128xf32, #tpu.memory_space<vmem_shared>>)
      %dma_start3A_198 = arith.constant 7 : i32
      %dma_start3A_199 = arith.constant 0 : i32
      %dma_start3A_200 = tpu.memref_slice %arg10[%dma_start3A_198, %dma_start3A_199] : memref<16x80xi32, #tpu.memory_space<vmem>> -> memref<1x80xi32, #tpu.memory_space<vmem>>
      %dma_start3A_201 = tpu.memref_squeeze %dma_start3A_200 : memref<1x80xi32, #tpu.memory_space<vmem>> -> memref<80xi32, #tpu.memory_space<vmem>>
      %dma_start3A_202 = arith.constant 0 : i32
      %dma_start3A_203 = arith.constant 0 : i32
      %dma_start3A_204 = tpu.memref_slice %arg4[%dma_start3A_202, %dma_start3A_203] : memref<10000x128xf32, #tpu.memory_space<hbm>> -> memref<10000x128xf32, #tpu.memory_space<hbm>>
      tpu.enqueue_indirect_dma source(%dma_start3A_204 : memref<10000x128xf32, #tpu.memory_space<hbm>>) target(%arg13 : memref<80x128xf32, #tpu.memory_space<vmem>>) offsets(%dma_start3A_201 : memref<80xi32, #tpu.memory_space<vmem>>) semaphore(%arg15 : memref<!tpu.dma_semaphore, #tpu.memory_space<semaphore_mem>>)
      %dma_wait3A_205 = arith.constant 6 : i32
      %dma_wait3A_206 = arith.constant 0 : i32
      %dma_wait3A_207 = tpu.memref_slice %arg10[%dma_wait3A_205, %dma_wait3A_206] : memref<16x80xi32, #tpu.memory_space<vmem>> -> memref<1x80xi32, #tpu.memory_space<vmem>>
      %dma_wait3A_208 = tpu.memref_squeeze %dma_wait3A_207 : memref<1x80xi32, #tpu.memory_space<vmem>> -> memref<80xi32, #tpu.memory_space<vmem>>
      %dma_wait3A_209 = arith.constant 0 : i32
      %dma_wait3A_210 = arith.constant 0 : i32
      %dma_wait3A_211 = tpu.memref_slice %arg4[%dma_wait3A_209, %dma_wait3A_210] : memref<10000x128xf32, #tpu.memory_space<hbm>> -> memref<10000x128xf32, #tpu.memory_space<hbm>>
      tpu.wait_indirect_dma semaphore(%arg14 : memref<!tpu.dma_semaphore, #tpu.memory_space<semaphore_mem>>) src(%dma_wait3A_211 : memref<10000x128xf32, #tpu.memory_space<hbm>>) dst(%arg12 : memref<80x128xf32, #tpu.memory_space<vmem>>)
      %dma_start3A_212 = arith.constant 6 : i32
      %dma_start3A_213 = arith.constant 0 : i32
      %dma_start3A_214 = tpu.memref_slice %arg11[%dma_start3A_212, %dma_start3A_213] : memref<16x80xi32, #tpu.memory_space<vmem>> -> memref<1x80xi32, #tpu.memory_space<vmem>>
      %dma_start3A_215 = tpu.memref_squeeze %dma_start3A_214 : memref<1x80xi32, #tpu.memory_space<vmem>> -> memref<80xi32, #tpu.memory_space<vmem>>
      %dma_start3A_216 = arith.constant 0 : i32
      %dma_start3A_217 = arith.constant 0 : i32
      %dma_start3A_218 = tpu.memref_slice %arg9[%dma_start3A_216, %dma_start3A_217] : memref<10240x128xf32, #tpu.memory_space<vmem_shared>> -> memref<10240x128xf32, #tpu.memory_space<vmem_shared>>
      tpu.enqueue_indirect_dma source(%arg12 : memref<80x128xf32, #tpu.memory_space<vmem>>) target(%dma_start3A_218 : memref<10240x128xf32, #tpu.memory_space<vmem_shared>>) offsets(%dma_start3A_215 : memref<80xi32, #tpu.memory_space<vmem>>) semaphore(%arg16 : memref<!tpu.dma_semaphore, #tpu.memory_space<semaphore_mem>>) {add = true}
      %dma_wait3A_219 = arith.constant 6 : i32
      %dma_wait3A_220 = arith.constant 0 : i32
      %dma_wait3A_221 = tpu.memref_slice %arg11[%dma_wait3A_219, %dma_wait3A_220] : memref<16x80xi32, #tpu.memory_space<vmem>> -> memref<1x80xi32, #tpu.memory_space<vmem>>
      %dma_wait3A_222 = tpu.memref_squeeze %dma_wait3A_221 : memref<1x80xi32, #tpu.memory_space<vmem>> -> memref<80xi32, #tpu.memory_space<vmem>>
      %dma_wait3A_223 = arith.constant 0 : i32
      %dma_wait3A_224 = arith.constant 0 : i32
      %dma_wait3A_225 = tpu.memref_slice %arg9[%dma_wait3A_223, %dma_wait3A_224] : memref<10240x128xf32, #tpu.memory_space<vmem_shared>> -> memref<10240x128xf32, #tpu.memory_space<vmem_shared>>
      tpu.wait_indirect_dma semaphore(%arg16 : memref<!tpu.dma_semaphore, #tpu.memory_space<semaphore_mem>>) src(%arg12 : memref<80x128xf32, #tpu.memory_space<vmem>>) dst(%dma_wait3A_225 : memref<10240x128xf32, #tpu.memory_space<vmem_shared>>)
      %dma_start3A_226 = arith.constant 8 : i32
      %dma_start3A_227 = arith.constant 0 : i32
      %dma_start3A_228 = tpu.memref_slice %arg10[%dma_start3A_226, %dma_start3A_227] : memref<16x80xi32, #tpu.memory_space<vmem>> -> memref<1x80xi32, #tpu.memory_space<vmem>>
      %dma_start3A_229 = tpu.memref_squeeze %dma_start3A_228 : memref<1x80xi32, #tpu.memory_space<vmem>> -> memref<80xi32, #tpu.memory_space<vmem>>
      %dma_start3A_230 = arith.constant 0 : i32
      %dma_start3A_231 = arith.constant 0 : i32
      %dma_start3A_232 = tpu.memref_slice %arg4[%dma_start3A_230, %dma_start3A_231] : memref<10000x128xf32, #tpu.memory_space<hbm>> -> memref<10000x128xf32, #tpu.memory_space<hbm>>
      tpu.enqueue_indirect_dma source(%dma_start3A_232 : memref<10000x128xf32, #tpu.memory_space<hbm>>) target(%arg12 : memref<80x128xf32, #tpu.memory_space<vmem>>) offsets(%dma_start3A_229 : memref<80xi32, #tpu.memory_space<vmem>>) semaphore(%arg14 : memref<!tpu.dma_semaphore, #tpu.memory_space<semaphore_mem>>)
      %dma_wait3A_233 = arith.constant 7 : i32
      %dma_wait3A_234 = arith.constant 0 : i32
      %dma_wait3A_235 = tpu.memref_slice %arg10[%dma_wait3A_233, %dma_wait3A_234] : memref<16x80xi32, #tpu.memory_space<vmem>> -> memref<1x80xi32, #tpu.memory_space<vmem>>
      %dma_wait3A_236 = tpu.memref_squeeze %dma_wait3A_235 : memref<1x80xi32, #tpu.memory_space<vmem>> -> memref<80xi32, #tpu.memory_space<vmem>>
      %dma_wait3A_237 = arith.constant 0 : i32
      %dma_wait3A_238 = arith.constant 0 : i32
      %dma_wait3A_239 = tpu.memref_slice %arg4[%dma_wait3A_237, %dma_wait3A_238] : memref<10000x128xf32, #tpu.memory_space<hbm>> -> memref<10000x128xf32, #tpu.memory_space<hbm>>
      tpu.wait_indirect_dma semaphore(%arg15 : memref<!tpu.dma_semaphore, #tpu.memory_space<semaphore_mem>>) src(%dma_wait3A_239 : memref<10000x128xf32, #tpu.memory_space<hbm>>) dst(%arg13 : memref<80x128xf32, #tpu.memory_space<vmem>>)
      %dma_start3A_240 = arith.constant 7 : i32
      %dma_start3A_241 = arith.constant 0 : i32
      %dma_start3A_242 = tpu.memref_slice %arg11[%dma_start3A_240, %dma_start3A_241] : memref<16x80xi32, #tpu.memory_space<vmem>> -> memref<1x80xi32, #tpu.memory_space<vmem>>
      %dma_start3A_243 = tpu.memref_squeeze %dma_start3A_242 : memref<1x80xi32, #tpu.memory_space<vmem>> -> memref<80xi32, #tpu.memory_space<vmem>>
      %dma_start3A_244 = arith.constant 0 : i32
      %dma_start3A_245 = arith.constant 0 : i32
      %dma_start3A_246 = tpu.memref_slice %arg9[%dma_start3A_244, %dma_start3A_245] : memref<10240x128xf32, #tpu.memory_space<vmem_shared>> -> memref<10240x128xf32, #tpu.memory_space<vmem_shared>>
      tpu.enqueue_indirect_dma source(%arg13 : memref<80x128xf32, #tpu.memory_space<vmem>>) target(%dma_start3A_246 : memref<10240x128xf32, #tpu.memory_space<vmem_shared>>) offsets(%dma_start3A_243 : memref<80xi32, #tpu.memory_space<vmem>>) semaphore(%arg16 : memref<!tpu.dma_semaphore, #tpu.memory_space<semaphore_mem>>) {add = true}
      %dma_wait3A_247 = arith.constant 7 : i32
      %dma_wait3A_248 = arith.constant 0 : i32
      %dma_wait3A_249 = tpu.memref_slice %arg11[%dma_wait3A_247, %dma_wait3A_248] : memref<16x80xi32, #tpu.memory_space<vmem>> -> memref<1x80xi32, #tpu.memory_space<vmem>>
      %dma_wait3A_250 = tpu.memref_squeeze %dma_wait3A_249 : memref<1x80xi32, #tpu.memory_space<vmem>> -> memref<80xi32, #tpu.memory_space<vmem>>
      %dma_wait3A_251 = arith.constant 0 : i32
      %dma_wait3A_252 = arith.constant 0 : i32
      %dma_wait3A_253 = tpu.memref_slice %arg9[%dma_wait3A_251, %dma_wait3A_252] : memref<10240x128xf32, #tpu.memory_space<vmem_shared>> -> memref<10240x128xf32, #tpu.memory_space<vmem_shared>>
      tpu.wait_indirect_dma semaphore(%arg16 : memref<!tpu.dma_semaphore, #tpu.memory_space<semaphore_mem>>) src(%arg13 : memref<80x128xf32, #tpu.memory_space<vmem>>) dst(%dma_wait3A_253 : memref<10240x128xf32, #tpu.memory_space<vmem_shared>>)
      %dma_start3A_254 = arith.constant 9 : i32
      %dma_start3A_255 = arith.constant 0 : i32
      %dma_start3A_256 = tpu.memref_slice %arg10[%dma_start3A_254, %dma_start3A_255] : memref<16x80xi32, #tpu.memory_space<vmem>> -> memref<1x80xi32, #tpu.memory_space<vmem>>
      %dma_start3A_257 = tpu.memref_squeeze %dma_start3A_256 : memref<1x80xi32, #tpu.memory_space<vmem>> -> memref<80xi32, #tpu.memory_space<vmem>>
      %dma_start3A_258 = arith.constant 0 : i32
      %dma_start3A_259 = arith.constant 0 : i32
      %dma_start3A_260 = tpu.memref_slice %arg4[%dma_start3A_258, %dma_start3A_259] : memref<10000x128xf32, #tpu.memory_space<hbm>> -> memref<10000x128xf32, #tpu.memory_space<hbm>>
      tpu.enqueue_indirect_dma source(%dma_start3A_260 : memref<10000x128xf32, #tpu.memory_space<hbm>>) target(%arg13 : memref<80x128xf32, #tpu.memory_space<vmem>>) offsets(%dma_start3A_257 : memref<80xi32, #tpu.memory_space<vmem>>) semaphore(%arg15 : memref<!tpu.dma_semaphore, #tpu.memory_space<semaphore_mem>>)
      %dma_wait3A_261 = arith.constant 8 : i32
      %dma_wait3A_262 = arith.constant 0 : i32
      %dma_wait3A_263 = tpu.memref_slice %arg10[%dma_wait3A_261, %dma_wait3A_262] : memref<16x80xi32, #tpu.memory_space<vmem>> -> memref<1x80xi32, #tpu.memory_space<vmem>>
      %dma_wait3A_264 = tpu.memref_squeeze %dma_wait3A_263 : memref<1x80xi32, #tpu.memory_space<vmem>> -> memref<80xi32, #tpu.memory_space<vmem>>
      %dma_wait3A_265 = arith.constant 0 : i32
      %dma_wait3A_266 = arith.constant 0 : i32
      %dma_wait3A_267 = tpu.memref_slice %arg4[%dma_wait3A_265, %dma_wait3A_266] : memref<10000x128xf32, #tpu.memory_space<hbm>> -> memref<10000x128xf32, #tpu.memory_space<hbm>>
      tpu.wait_indirect_dma semaphore(%arg14 : memref<!tpu.dma_semaphore, #tpu.memory_space<semaphore_mem>>) src(%dma_wait3A_267 : memref<10000x128xf32, #tpu.memory_space<hbm>>) dst(%arg12 : memref<80x128xf32, #tpu.memory_space<vmem>>)
      %dma_start3A_268 = arith.constant 8 : i32
      %dma_start3A_269 = arith.constant 0 : i32
      %dma_start3A_270 = tpu.memref_slice %arg11[%dma_start3A_268, %dma_start3A_269] : memref<16x80xi32, #tpu.memory_space<vmem>> -> memref<1x80xi32, #tpu.memory_space<vmem>>
      %dma_start3A_271 = tpu.memref_squeeze %dma_start3A_270 : memref<1x80xi32, #tpu.memory_space<vmem>> -> memref<80xi32, #tpu.memory_space<vmem>>
      %dma_start3A_272 = arith.constant 0 : i32
      %dma_start3A_273 = arith.constant 0 : i32
      %dma_start3A_274 = tpu.memref_slice %arg9[%dma_start3A_272, %dma_start3A_273] : memref<10240x128xf32, #tpu.memory_space<vmem_shared>> -> memref<10240x128xf32, #tpu.memory_space<vmem_shared>>
      tpu.enqueue_indirect_dma source(%arg12 : memref<80x128xf32, #tpu.memory_space<vmem>>) target(%dma_start3A_274 : memref<10240x128xf32, #tpu.memory_space<vmem_shared>>) offsets(%dma_start3A_271 : memref<80xi32, #tpu.memory_space<vmem>>) semaphore(%arg16 : memref<!tpu.dma_semaphore, #tpu.memory_space<semaphore_mem>>) {add = true}
      %dma_wait3A_275 = arith.constant 8 : i32
      %dma_wait3A_276 = arith.constant 0 : i32
      %dma_wait3A_277 = tpu.memref_slice %arg11[%dma_wait3A_275, %dma_wait3A_276] : memref<16x80xi32, #tpu.memory_space<vmem>> -> memref<1x80xi32, #tpu.memory_space<vmem>>
      %dma_wait3A_278 = tpu.memref_squeeze %dma_wait3A_277 : memref<1x80xi32, #tpu.memory_space<vmem>> -> memref<80xi32, #tpu.memory_space<vmem>>
      %dma_wait3A_279 = arith.constant 0 : i32
      %dma_wait3A_280 = arith.constant 0 : i32
      %dma_wait3A_281 = tpu.memref_slice %arg9[%dma_wait3A_279, %dma_wait3A_280] : memref<10240x128xf32, #tpu.memory_space<vmem_shared>> -> memref<10240x128xf32, #tpu.memory_space<vmem_shared>>
      tpu.wait_indirect_dma semaphore(%arg16 : memref<!tpu.dma_semaphore, #tpu.memory_space<semaphore_mem>>) src(%arg12 : memref<80x128xf32, #tpu.memory_space<vmem>>) dst(%dma_wait3A_281 : memref<10240x128xf32, #tpu.memory_space<vmem_shared>>)
      %dma_start3A_282 = arith.constant 10 : i32
      %dma_start3A_283 = arith.constant 0 : i32
      %dma_start3A_284 = tpu.memref_slice %arg10[%dma_start3A_282, %dma_start3A_283] : memref<16x80xi32, #tpu.memory_space<vmem>> -> memref<1x80xi32, #tpu.memory_space<vmem>>
      %dma_start3A_285 = tpu.memref_squeeze %dma_start3A_284 : memref<1x80xi32, #tpu.memory_space<vmem>> -> memref<80xi32, #tpu.memory_space<vmem>>
      %dma_start3A_286 = arith.constant 0 : i32
      %dma_start3A_287 = arith.constant 0 : i32
      %dma_start3A_288 = tpu.memref_slice %arg4[%dma_start3A_286, %dma_start3A_287] : memref<10000x128xf32, #tpu.memory_space<hbm>> -> memref<10000x128xf32, #tpu.memory_space<hbm>>
      tpu.enqueue_indirect_dma source(%dma_start3A_288 : memref<10000x128xf32, #tpu.memory_space<hbm>>) target(%arg12 : memref<80x128xf32, #tpu.memory_space<vmem>>) offsets(%dma_start3A_285 : memref<80xi32, #tpu.memory_space<vmem>>) semaphore(%arg14 : memref<!tpu.dma_semaphore, #tpu.memory_space<semaphore_mem>>)
      %dma_wait3A_289 = arith.constant 9 : i32
      %dma_wait3A_290 = arith.constant 0 : i32
      %dma_wait3A_291 = tpu.memref_slice %arg10[%dma_wait3A_289, %dma_wait3A_290] : memref<16x80xi32, #tpu.memory_space<vmem>> -> memref<1x80xi32, #tpu.memory_space<vmem>>
      %dma_wait3A_292 = tpu.memref_squeeze %dma_wait3A_291 : memref<1x80xi32, #tpu.memory_space<vmem>> -> memref<80xi32, #tpu.memory_space<vmem>>
      %dma_wait3A_293 = arith.constant 0 : i32
      %dma_wait3A_294 = arith.constant 0 : i32
      %dma_wait3A_295 = tpu.memref_slice %arg4[%dma_wait3A_293, %dma_wait3A_294] : memref<10000x128xf32, #tpu.memory_space<hbm>> -> memref<10000x128xf32, #tpu.memory_space<hbm>>
      tpu.wait_indirect_dma semaphore(%arg15 : memref<!tpu.dma_semaphore, #tpu.memory_space<semaphore_mem>>) src(%dma_wait3A_295 : memref<10000x128xf32, #tpu.memory_space<hbm>>) dst(%arg13 : memref<80x128xf32, #tpu.memory_space<vmem>>)
      %dma_start3A_296 = arith.constant 9 : i32
      %dma_start3A_297 = arith.constant 0 : i32
      %dma_start3A_298 = tpu.memref_slice %arg11[%dma_start3A_296, %dma_start3A_297] : memref<16x80xi32, #tpu.memory_space<vmem>> -> memref<1x80xi32, #tpu.memory_space<vmem>>
      %dma_start3A_299 = tpu.memref_squeeze %dma_start3A_298 : memref<1x80xi32, #tpu.memory_space<vmem>> -> memref<80xi32, #tpu.memory_space<vmem>>
      %dma_start3A_300 = arith.constant 0 : i32
      %dma_start3A_301 = arith.constant 0 : i32
      %dma_start3A_302 = tpu.memref_slice %arg9[%dma_start3A_300, %dma_start3A_301] : memref<10240x128xf32, #tpu.memory_space<vmem_shared>> -> memref<10240x128xf32, #tpu.memory_space<vmem_shared>>
      tpu.enqueue_indirect_dma source(%arg13 : memref<80x128xf32, #tpu.memory_space<vmem>>) target(%dma_start3A_302 : memref<10240x128xf32, #tpu.memory_space<vmem_shared>>) offsets(%dma_start3A_299 : memref<80xi32, #tpu.memory_space<vmem>>) semaphore(%arg16 : memref<!tpu.dma_semaphore, #tpu.memory_space<semaphore_mem>>) {add = true}
      %dma_wait3A_303 = arith.constant 9 : i32
      %dma_wait3A_304 = arith.constant 0 : i32
      %dma_wait3A_305 = tpu.memref_slice %arg11[%dma_wait3A_303, %dma_wait3A_304] : memref<16x80xi32, #tpu.memory_space<vmem>> -> memref<1x80xi32, #tpu.memory_space<vmem>>
      %dma_wait3A_306 = tpu.memref_squeeze %dma_wait3A_305 : memref<1x80xi32, #tpu.memory_space<vmem>> -> memref<80xi32, #tpu.memory_space<vmem>>
      %dma_wait3A_307 = arith.constant 0 : i32
      %dma_wait3A_308 = arith.constant 0 : i32
      %dma_wait3A_309 = tpu.memref_slice %arg9[%dma_wait3A_307, %dma_wait3A_308] : memref<10240x128xf32, #tpu.memory_space<vmem_shared>> -> memref<10240x128xf32, #tpu.memory_space<vmem_shared>>
      tpu.wait_indirect_dma semaphore(%arg16 : memref<!tpu.dma_semaphore, #tpu.memory_space<semaphore_mem>>) src(%arg13 : memref<80x128xf32, #tpu.memory_space<vmem>>) dst(%dma_wait3A_309 : memref<10240x128xf32, #tpu.memory_space<vmem_shared>>)
      %dma_start3A_310 = arith.constant 11 : i32
      %dma_start3A_311 = arith.constant 0 : i32
      %dma_start3A_312 = tpu.memref_slice %arg10[%dma_start3A_310, %dma_start3A_311] : memref<16x80xi32, #tpu.memory_space<vmem>> -> memref<1x80xi32, #tpu.memory_space<vmem>>
      %dma_start3A_313 = tpu.memref_squeeze %dma_start3A_312 : memref<1x80xi32, #tpu.memory_space<vmem>> -> memref<80xi32, #tpu.memory_space<vmem>>
      %dma_start3A_314 = arith.constant 0 : i32
      %dma_start3A_315 = arith.constant 0 : i32
      %dma_start3A_316 = tpu.memref_slice %arg4[%dma_start3A_314, %dma_start3A_315] : memref<10000x128xf32, #tpu.memory_space<hbm>> -> memref<10000x128xf32, #tpu.memory_space<hbm>>
      tpu.enqueue_indirect_dma source(%dma_start3A_316 : memref<10000x128xf32, #tpu.memory_space<hbm>>) target(%arg13 : memref<80x128xf32, #tpu.memory_space<vmem>>) offsets(%dma_start3A_313 : memref<80xi32, #tpu.memory_space<vmem>>) semaphore(%arg15 : memref<!tpu.dma_semaphore, #tpu.memory_space<semaphore_mem>>)
      %dma_wait3A_317 = arith.constant 10 : i32
      %dma_wait3A_318 = arith.constant 0 : i32
      %dma_wait3A_319 = tpu.memref_slice %arg10[%dma_wait3A_317, %dma_wait3A_318] : memref<16x80xi32, #tpu.memory_space<vmem>> -> memref<1x80xi32, #tpu.memory_space<vmem>>
      %dma_wait3A_320 = tpu.memref_squeeze %dma_wait3A_319 : memref<1x80xi32, #tpu.memory_space<vmem>> -> memref<80xi32, #tpu.memory_space<vmem>>
      %dma_wait3A_321 = arith.constant 0 : i32
      %dma_wait3A_322 = arith.constant 0 : i32
      %dma_wait3A_323 = tpu.memref_slice %arg4[%dma_wait3A_321, %dma_wait3A_322] : memref<10000x128xf32, #tpu.memory_space<hbm>> -> memref<10000x128xf32, #tpu.memory_space<hbm>>
      tpu.wait_indirect_dma semaphore(%arg14 : memref<!tpu.dma_semaphore, #tpu.memory_space<semaphore_mem>>) src(%dma_wait3A_323 : memref<10000x128xf32, #tpu.memory_space<hbm>>) dst(%arg12 : memref<80x128xf32, #tpu.memory_space<vmem>>)
      %dma_start3A_324 = arith.constant 10 : i32
      %dma_start3A_325 = arith.constant 0 : i32
      %dma_start3A_326 = tpu.memref_slice %arg11[%dma_start3A_324, %dma_start3A_325] : memref<16x80xi32, #tpu.memory_space<vmem>> -> memref<1x80xi32, #tpu.memory_space<vmem>>
      %dma_start3A_327 = tpu.memref_squeeze %dma_start3A_326 : memref<1x80xi32, #tpu.memory_space<vmem>> -> memref<80xi32, #tpu.memory_space<vmem>>
      %dma_start3A_328 = arith.constant 0 : i32
      %dma_start3A_329 = arith.constant 0 : i32
      %dma_start3A_330 = tpu.memref_slice %arg9[%dma_start3A_328, %dma_start3A_329] : memref<10240x128xf32, #tpu.memory_space<vmem_shared>> -> memref<10240x128xf32, #tpu.memory_space<vmem_shared>>
      tpu.enqueue_indirect_dma source(%arg12 : memref<80x128xf32, #tpu.memory_space<vmem>>) target(%dma_start3A_330 : memref<10240x128xf32, #tpu.memory_space<vmem_shared>>) offsets(%dma_start3A_327 : memref<80xi32, #tpu.memory_space<vmem>>) semaphore(%arg16 : memref<!tpu.dma_semaphore, #tpu.memory_space<semaphore_mem>>) {add = true}
      %dma_wait3A_331 = arith.constant 10 : i32
      %dma_wait3A_332 = arith.constant 0 : i32
      %dma_wait3A_333 = tpu.memref_slice %arg11[%dma_wait3A_331, %dma_wait3A_332] : memref<16x80xi32, #tpu.memory_space<vmem>> -> memref<1x80xi32, #tpu.memory_space<vmem>>
      %dma_wait3A_334 = tpu.memref_squeeze %dma_wait3A_333 : memref<1x80xi32, #tpu.memory_space<vmem>> -> memref<80xi32, #tpu.memory_space<vmem>>
      %dma_wait3A_335 = arith.constant 0 : i32
      %dma_wait3A_336 = arith.constant 0 : i32
      %dma_wait3A_337 = tpu.memref_slice %arg9[%dma_wait3A_335, %dma_wait3A_336] : memref<10240x128xf32, #tpu.memory_space<vmem_shared>> -> memref<10240x128xf32, #tpu.memory_space<vmem_shared>>
      tpu.wait_indirect_dma semaphore(%arg16 : memref<!tpu.dma_semaphore, #tpu.memory_space<semaphore_mem>>) src(%arg12 : memref<80x128xf32, #tpu.memory_space<vmem>>) dst(%dma_wait3A_337 : memref<10240x128xf32, #tpu.memory_space<vmem_shared>>)
      %dma_start3A_338 = arith.constant 12 : i32
      %dma_start3A_339 = arith.constant 0 : i32
      %dma_start3A_340 = tpu.memref_slice %arg10[%dma_start3A_338, %dma_start3A_339] : memref<16x80xi32, #tpu.memory_space<vmem>> -> memref<1x80xi32, #tpu.memory_space<vmem>>
      %dma_start3A_341 = tpu.memref_squeeze %dma_start3A_340 : memref<1x80xi32, #tpu.memory_space<vmem>> -> memref<80xi32, #tpu.memory_space<vmem>>
      %dma_start3A_342 = arith.constant 0 : i32
      %dma_start3A_343 = arith.constant 0 : i32
      %dma_start3A_344 = tpu.memref_slice %arg4[%dma_start3A_342, %dma_start3A_343] : memref<10000x128xf32, #tpu.memory_space<hbm>> -> memref<10000x128xf32, #tpu.memory_space<hbm>>
      tpu.enqueue_indirect_dma source(%dma_start3A_344 : memref<10000x128xf32, #tpu.memory_space<hbm>>) target(%arg12 : memref<80x128xf32, #tpu.memory_space<vmem>>) offsets(%dma_start3A_341 : memref<80xi32, #tpu.memory_space<vmem>>) semaphore(%arg14 : memref<!tpu.dma_semaphore, #tpu.memory_space<semaphore_mem>>)
      %dma_wait3A_345 = arith.constant 11 : i32
      %dma_wait3A_346 = arith.constant 0 : i32
      %dma_wait3A_347 = tpu.memref_slice %arg10[%dma_wait3A_345, %dma_wait3A_346] : memref<16x80xi32, #tpu.memory_space<vmem>> -> memref<1x80xi32, #tpu.memory_space<vmem>>
      %dma_wait3A_348 = tpu.memref_squeeze %dma_wait3A_347 : memref<1x80xi32, #tpu.memory_space<vmem>> -> memref<80xi32, #tpu.memory_space<vmem>>
      %dma_wait3A_349 = arith.constant 0 : i32
      %dma_wait3A_350 = arith.constant 0 : i32
      %dma_wait3A_351 = tpu.memref_slice %arg4[%dma_wait3A_349, %dma_wait3A_350] : memref<10000x128xf32, #tpu.memory_space<hbm>> -> memref<10000x128xf32, #tpu.memory_space<hbm>>
      tpu.wait_indirect_dma semaphore(%arg15 : memref<!tpu.dma_semaphore, #tpu.memory_space<semaphore_mem>>) src(%dma_wait3A_351 : memref<10000x128xf32, #tpu.memory_space<hbm>>) dst(%arg13 : memref<80x128xf32, #tpu.memory_space<vmem>>)
      %dma_start3A_352 = arith.constant 11 : i32
      %dma_start3A_353 = arith.constant 0 : i32
      %dma_start3A_354 = tpu.memref_slice %arg11[%dma_start3A_352, %dma_start3A_353] : memref<16x80xi32, #tpu.memory_space<vmem>> -> memref<1x80xi32, #tpu.memory_space<vmem>>
      %dma_start3A_355 = tpu.memref_squeeze %dma_start3A_354 : memref<1x80xi32, #tpu.memory_space<vmem>> -> memref<80xi32, #tpu.memory_space<vmem>>
      %dma_start3A_356 = arith.constant 0 : i32
      %dma_start3A_357 = arith.constant 0 : i32
      %dma_start3A_358 = tpu.memref_slice %arg9[%dma_start3A_356, %dma_start3A_357] : memref<10240x128xf32, #tpu.memory_space<vmem_shared>> -> memref<10240x128xf32, #tpu.memory_space<vmem_shared>>
      tpu.enqueue_indirect_dma source(%arg13 : memref<80x128xf32, #tpu.memory_space<vmem>>) target(%dma_start3A_358 : memref<10240x128xf32, #tpu.memory_space<vmem_shared>>) offsets(%dma_start3A_355 : memref<80xi32, #tpu.memory_space<vmem>>) semaphore(%arg16 : memref<!tpu.dma_semaphore, #tpu.memory_space<semaphore_mem>>) {add = true}
      %dma_wait3A_359 = arith.constant 11 : i32
      %dma_wait3A_360 = arith.constant 0 : i32
      %dma_wait3A_361 = tpu.memref_slice %arg11[%dma_wait3A_359, %dma_wait3A_360] : memref<16x80xi32, #tpu.memory_space<vmem>> -> memref<1x80xi32, #tpu.memory_space<vmem>>
      %dma_wait3A_362 = tpu.memref_squeeze %dma_wait3A_361 : memref<1x80xi32, #tpu.memory_space<vmem>> -> memref<80xi32, #tpu.memory_space<vmem>>
      %dma_wait3A_363 = arith.constant 0 : i32
      %dma_wait3A_364 = arith.constant 0 : i32
      %dma_wait3A_365 = tpu.memref_slice %arg9[%dma_wait3A_363, %dma_wait3A_364] : memref<10240x128xf32, #tpu.memory_space<vmem_shared>> -> memref<10240x128xf32, #tpu.memory_space<vmem_shared>>
      tpu.wait_indirect_dma semaphore(%arg16 : memref<!tpu.dma_semaphore, #tpu.memory_space<semaphore_mem>>) src(%arg13 : memref<80x128xf32, #tpu.memory_space<vmem>>) dst(%dma_wait3A_365 : memref<10240x128xf32, #tpu.memory_space<vmem_shared>>)
      %dma_start3A_366 = arith.constant 13 : i32
      %dma_start3A_367 = arith.constant 0 : i32
      %dma_start3A_368 = tpu.memref_slice %arg10[%dma_start3A_366, %dma_start3A_367] : memref<16x80xi32, #tpu.memory_space<vmem>> -> memref<1x80xi32, #tpu.memory_space<vmem>>
      %dma_start3A_369 = tpu.memref_squeeze %dma_start3A_368 : memref<1x80xi32, #tpu.memory_space<vmem>> -> memref<80xi32, #tpu.memory_space<vmem>>
      %dma_start3A_370 = arith.constant 0 : i32
      %dma_start3A_371 = arith.constant 0 : i32
      %dma_start3A_372 = tpu.memref_slice %arg4[%dma_start3A_370, %dma_start3A_371] : memref<10000x128xf32, #tpu.memory_space<hbm>> -> memref<10000x128xf32, #tpu.memory_space<hbm>>
      tpu.enqueue_indirect_dma source(%dma_start3A_372 : memref<10000x128xf32, #tpu.memory_space<hbm>>) target(%arg13 : memref<80x128xf32, #tpu.memory_space<vmem>>) offsets(%dma_start3A_369 : memref<80xi32, #tpu.memory_space<vmem>>) semaphore(%arg15 : memref<!tpu.dma_semaphore, #tpu.memory_space<semaphore_mem>>)
      %dma_wait3A_373 = arith.constant 12 : i32
      %dma_wait3A_374 = arith.constant 0 : i32
      %dma_wait3A_375 = tpu.memref_slice %arg10[%dma_wait3A_373, %dma_wait3A_374] : memref<16x80xi32, #tpu.memory_space<vmem>> -> memref<1x80xi32, #tpu.memory_space<vmem>>
      %dma_wait3A_376 = tpu.memref_squeeze %dma_wait3A_375 : memref<1x80xi32, #tpu.memory_space<vmem>> -> memref<80xi32, #tpu.memory_space<vmem>>
      %dma_wait3A_377 = arith.constant 0 : i32
      %dma_wait3A_378 = arith.constant 0 : i32
      %dma_wait3A_379 = tpu.memref_slice %arg4[%dma_wait3A_377, %dma_wait3A_378] : memref<10000x128xf32, #tpu.memory_space<hbm>> -> memref<10000x128xf32, #tpu.memory_space<hbm>>
      tpu.wait_indirect_dma semaphore(%arg14 : memref<!tpu.dma_semaphore, #tpu.memory_space<semaphore_mem>>) src(%dma_wait3A_379 : memref<10000x128xf32, #tpu.memory_space<hbm>>) dst(%arg12 : memref<80x128xf32, #tpu.memory_space<vmem>>)
      %dma_start3A_380 = arith.constant 12 : i32
      %dma_start3A_381 = arith.constant 0 : i32
      %dma_start3A_382 = tpu.memref_slice %arg11[%dma_start3A_380, %dma_start3A_381] : memref<16x80xi32, #tpu.memory_space<vmem>> -> memref<1x80xi32, #tpu.memory_space<vmem>>
      %dma_start3A_383 = tpu.memref_squeeze %dma_start3A_382 : memref<1x80xi32, #tpu.memory_space<vmem>> -> memref<80xi32, #tpu.memory_space<vmem>>
      %dma_start3A_384 = arith.constant 0 : i32
      %dma_start3A_385 = arith.constant 0 : i32
      %dma_start3A_386 = tpu.memref_slice %arg9[%dma_start3A_384, %dma_start3A_385] : memref<10240x128xf32, #tpu.memory_space<vmem_shared>> -> memref<10240x128xf32, #tpu.memory_space<vmem_shared>>
      tpu.enqueue_indirect_dma source(%arg12 : memref<80x128xf32, #tpu.memory_space<vmem>>) target(%dma_start3A_386 : memref<10240x128xf32, #tpu.memory_space<vmem_shared>>) offsets(%dma_start3A_383 : memref<80xi32, #tpu.memory_space<vmem>>) semaphore(%arg16 : memref<!tpu.dma_semaphore, #tpu.memory_space<semaphore_mem>>) {add = true}
      %dma_wait3A_387 = arith.constant 12 : i32
      %dma_wait3A_388 = arith.constant 0 : i32
      %dma_wait3A_389 = tpu.memref_slice %arg11[%dma_wait3A_387, %dma_wait3A_388] : memref<16x80xi32, #tpu.memory_space<vmem>> -> memref<1x80xi32, #tpu.memory_space<vmem>>
      %dma_wait3A_390 = tpu.memref_squeeze %dma_wait3A_389 : memref<1x80xi32, #tpu.memory_space<vmem>> -> memref<80xi32, #tpu.memory_space<vmem>>
      %dma_wait3A_391 = arith.constant 0 : i32
      %dma_wait3A_392 = arith.constant 0 : i32
      %dma_wait3A_393 = tpu.memref_slice %arg9[%dma_wait3A_391, %dma_wait3A_392] : memref<10240x128xf32, #tpu.memory_space<vmem_shared>> -> memref<10240x128xf32, #tpu.memory_space<vmem_shared>>
      tpu.wait_indirect_dma semaphore(%arg16 : memref<!tpu.dma_semaphore, #tpu.memory_space<semaphore_mem>>) src(%arg12 : memref<80x128xf32, #tpu.memory_space<vmem>>) dst(%dma_wait3A_393 : memref<10240x128xf32, #tpu.memory_space<vmem_shared>>)
      %dma_start3A_394 = arith.constant 14 : i32
      %dma_start3A_395 = arith.constant 0 : i32
      %dma_start3A_396 = tpu.memref_slice %arg10[%dma_start3A_394, %dma_start3A_395] : memref<16x80xi32, #tpu.memory_space<vmem>> -> memref<1x80xi32, #tpu.memory_space<vmem>>
      %dma_start3A_397 = tpu.memref_squeeze %dma_start3A_396 : memref<1x80xi32, #tpu.memory_space<vmem>> -> memref<80xi32, #tpu.memory_space<vmem>>
      %dma_start3A_398 = arith.constant 0 : i32
      %dma_start3A_399 = arith.constant 0 : i32
      %dma_start3A_400 = tpu.memref_slice %arg4[%dma_start3A_398, %dma_start3A_399] : memref<10000x128xf32, #tpu.memory_space<hbm>> -> memref<10000x128xf32, #tpu.memory_space<hbm>>
      tpu.enqueue_indirect_dma source(%dma_start3A_400 : memref<10000x128xf32, #tpu.memory_space<hbm>>) target(%arg12 : memref<80x128xf32, #tpu.memory_space<vmem>>) offsets(%dma_start3A_397 : memref<80xi32, #tpu.memory_space<vmem>>) semaphore(%arg14 : memref<!tpu.dma_semaphore, #tpu.memory_space<semaphore_mem>>)
      %dma_wait3A_401 = arith.constant 13 : i32
      %dma_wait3A_402 = arith.constant 0 : i32
      %dma_wait3A_403 = tpu.memref_slice %arg10[%dma_wait3A_401, %dma_wait3A_402] : memref<16x80xi32, #tpu.memory_space<vmem>> -> memref<1x80xi32, #tpu.memory_space<vmem>>
      %dma_wait3A_404 = tpu.memref_squeeze %dma_wait3A_403 : memref<1x80xi32, #tpu.memory_space<vmem>> -> memref<80xi32, #tpu.memory_space<vmem>>
      %dma_wait3A_405 = arith.constant 0 : i32
      %dma_wait3A_406 = arith.constant 0 : i32
      %dma_wait3A_407 = tpu.memref_slice %arg4[%dma_wait3A_405, %dma_wait3A_406] : memref<10000x128xf32, #tpu.memory_space<hbm>> -> memref<10000x128xf32, #tpu.memory_space<hbm>>
      tpu.wait_indirect_dma semaphore(%arg15 : memref<!tpu.dma_semaphore, #tpu.memory_space<semaphore_mem>>) src(%dma_wait3A_407 : memref<10000x128xf32, #tpu.memory_space<hbm>>) dst(%arg13 : memref<80x128xf32, #tpu.memory_space<vmem>>)
      %dma_start3A_408 = arith.constant 13 : i32
      %dma_start3A_409 = arith.constant 0 : i32
      %dma_start3A_410 = tpu.memref_slice %arg11[%dma_start3A_408, %dma_start3A_409] : memref<16x80xi32, #tpu.memory_space<vmem>> -> memref<1x80xi32, #tpu.memory_space<vmem>>
      %dma_start3A_411 = tpu.memref_squeeze %dma_start3A_410 : memref<1x80xi32, #tpu.memory_space<vmem>> -> memref<80xi32, #tpu.memory_space<vmem>>
      %dma_start3A_412 = arith.constant 0 : i32
      %dma_start3A_413 = arith.constant 0 : i32
      %dma_start3A_414 = tpu.memref_slice %arg9[%dma_start3A_412, %dma_start3A_413] : memref<10240x128xf32, #tpu.memory_space<vmem_shared>> -> memref<10240x128xf32, #tpu.memory_space<vmem_shared>>
      tpu.enqueue_indirect_dma source(%arg13 : memref<80x128xf32, #tpu.memory_space<vmem>>) target(%dma_start3A_414 : memref<10240x128xf32, #tpu.memory_space<vmem_shared>>) offsets(%dma_start3A_411 : memref<80xi32, #tpu.memory_space<vmem>>) semaphore(%arg16 : memref<!tpu.dma_semaphore, #tpu.memory_space<semaphore_mem>>) {add = true}
      %dma_wait3A_415 = arith.constant 13 : i32
      %dma_wait3A_416 = arith.constant 0 : i32
      %dma_wait3A_417 = tpu.memref_slice %arg11[%dma_wait3A_415, %dma_wait3A_416] : memref<16x80xi32, #tpu.memory_space<vmem>> -> memref<1x80xi32, #tpu.memory_space<vmem>>
      %dma_wait3A_418 = tpu.memref_squeeze %dma_wait3A_417 : memref<1x80xi32, #tpu.memory_space<vmem>> -> memref<80xi32, #tpu.memory_space<vmem>>
      %dma_wait3A_419 = arith.constant 0 : i32
      %dma_wait3A_420 = arith.constant 0 : i32
      %dma_wait3A_421 = tpu.memref_slice %arg9[%dma_wait3A_419, %dma_wait3A_420] : memref<10240x128xf32, #tpu.memory_space<vmem_shared>> -> memref<10240x128xf32, #tpu.memory_space<vmem_shared>>
      tpu.wait_indirect_dma semaphore(%arg16 : memref<!tpu.dma_semaphore, #tpu.memory_space<semaphore_mem>>) src(%arg13 : memref<80x128xf32, #tpu.memory_space<vmem>>) dst(%dma_wait3A_421 : memref<10240x128xf32, #tpu.memory_space<vmem_shared>>)
      %dma_start3A_422 = arith.constant 15 : i32
      %dma_start3A_423 = arith.constant 0 : i32
      %dma_start3A_424 = tpu.memref_slice %arg10[%dma_start3A_422, %dma_start3A_423] : memref<16x80xi32, #tpu.memory_space<vmem>> -> memref<1x80xi32, #tpu.memory_space<vmem>>
      %dma_start3A_425 = tpu.memref_squeeze %dma_start3A_424 : memref<1x80xi32, #tpu.memory_space<vmem>> -> memref<80xi32, #tpu.memory_space<vmem>>
      %dma_start3A_426 = arith.constant 0 : i32
      %dma_start3A_427 = arith.constant 0 : i32
      %dma_start3A_428 = tpu.memref_slice %arg4[%dma_start3A_426, %dma_start3A_427] : memref<10000x128xf32, #tpu.memory_space<hbm>> -> memref<10000x128xf32, #tpu.memory_space<hbm>>
      tpu.enqueue_indirect_dma source(%dma_start3A_428 : memref<10000x128xf32, #tpu.memory_space<hbm>>) target(%arg13 : memref<80x128xf32, #tpu.memory_space<vmem>>) offsets(%dma_start3A_425 : memref<80xi32, #tpu.memory_space<vmem>>) semaphore(%arg15 : memref<!tpu.dma_semaphore, #tpu.memory_space<semaphore_mem>>)
      %dma_wait3A_429 = arith.constant 14 : i32
      %dma_wait3A_430 = arith.constant 0 : i32
      %dma_wait3A_431 = tpu.memref_slice %arg10[%dma_wait3A_429, %dma_wait3A_430] : memref<16x80xi32, #tpu.memory_space<vmem>> -> memref<1x80xi32, #tpu.memory_space<vmem>>
      %dma_wait3A_432 = tpu.memref_squeeze %dma_wait3A_431 : memref<1x80xi32, #tpu.memory_space<vmem>> -> memref<80xi32, #tpu.memory_space<vmem>>
      %dma_wait3A_433 = arith.constant 0 : i32
      %dma_wait3A_434 = arith.constant 0 : i32
      %dma_wait3A_435 = tpu.memref_slice %arg4[%dma_wait3A_433, %dma_wait3A_434] : memref<10000x128xf32, #tpu.memory_space<hbm>> -> memref<10000x128xf32, #tpu.memory_space<hbm>>
      tpu.wait_indirect_dma semaphore(%arg14 : memref<!tpu.dma_semaphore, #tpu.memory_space<semaphore_mem>>) src(%dma_wait3A_435 : memref<10000x128xf32, #tpu.memory_space<hbm>>) dst(%arg12 : memref<80x128xf32, #tpu.memory_space<vmem>>)
      %dma_start3A_436 = arith.constant 14 : i32
      %dma_start3A_437 = arith.constant 0 : i32
      %dma_start3A_438 = tpu.memref_slice %arg11[%dma_start3A_436, %dma_start3A_437] : memref<16x80xi32, #tpu.memory_space<vmem>> -> memref<1x80xi32, #tpu.memory_space<vmem>>
      %dma_start3A_439 = tpu.memref_squeeze %dma_start3A_438 : memref<1x80xi32, #tpu.memory_space<vmem>> -> memref<80xi32, #tpu.memory_space<vmem>>
      %dma_start3A_440 = arith.constant 0 : i32
      %dma_start3A_441 = arith.constant 0 : i32
      %dma_start3A_442 = tpu.memref_slice %arg9[%dma_start3A_440, %dma_start3A_441] : memref<10240x128xf32, #tpu.memory_space<vmem_shared>> -> memref<10240x128xf32, #tpu.memory_space<vmem_shared>>
      tpu.enqueue_indirect_dma source(%arg12 : memref<80x128xf32, #tpu.memory_space<vmem>>) target(%dma_start3A_442 : memref<10240x128xf32, #tpu.memory_space<vmem_shared>>) offsets(%dma_start3A_439 : memref<80xi32, #tpu.memory_space<vmem>>) semaphore(%arg16 : memref<!tpu.dma_semaphore, #tpu.memory_space<semaphore_mem>>) {add = true}
      %dma_wait3A_443 = arith.constant 15 : i32
      %dma_wait3A_444 = arith.constant 0 : i32
      %dma_wait3A_445 = tpu.memref_slice %arg10[%dma_wait3A_443, %dma_wait3A_444] : memref<16x80xi32, #tpu.memory_space<vmem>> -> memref<1x80xi32, #tpu.memory_space<vmem>>
      %dma_wait3A_446 = tpu.memref_squeeze %dma_wait3A_445 : memref<1x80xi32, #tpu.memory_space<vmem>> -> memref<80xi32, #tpu.memory_space<vmem>>
      %dma_wait3A_447 = arith.constant 0 : i32
      %dma_wait3A_448 = arith.constant 0 : i32
      %dma_wait3A_449 = tpu.memref_slice %arg4[%dma_wait3A_447, %dma_wait3A_448] : memref<10000x128xf32, #tpu.memory_space<hbm>> -> memref<10000x128xf32, #tpu.memory_space<hbm>>
      tpu.wait_indirect_dma semaphore(%arg15 : memref<!tpu.dma_semaphore, #tpu.memory_space<semaphore_mem>>) src(%dma_wait3A_449 : memref<10000x128xf32, #tpu.memory_space<hbm>>) dst(%arg13 : memref<80x128xf32, #tpu.memory_space<vmem>>)
      %dma_start3A_450 = arith.constant 15 : i32
      %dma_start3A_451 = arith.constant 0 : i32
      %dma_start3A_452 = tpu.memref_slice %arg11[%dma_start3A_450, %dma_start3A_451] : memref<16x80xi32, #tpu.memory_space<vmem>> -> memref<1x80xi32, #tpu.memory_space<vmem>>
      %dma_start3A_453 = tpu.memref_squeeze %dma_start3A_452 : memref<1x80xi32, #tpu.memory_space<vmem>> -> memref<80xi32, #tpu.memory_space<vmem>>
      %dma_start3A_454 = arith.constant 0 : i32
      %dma_start3A_455 = arith.constant 0 : i32
      %dma_start3A_456 = tpu.memref_slice %arg9[%dma_start3A_454, %dma_start3A_455] : memref<10240x128xf32, #tpu.memory_space<vmem_shared>> -> memref<10240x128xf32, #tpu.memory_space<vmem_shared>>
      tpu.enqueue_indirect_dma source(%arg13 : memref<80x128xf32, #tpu.memory_space<vmem>>) target(%dma_start3A_456 : memref<10240x128xf32, #tpu.memory_space<vmem_shared>>) offsets(%dma_start3A_453 : memref<80xi32, #tpu.memory_space<vmem>>) semaphore(%arg16 : memref<!tpu.dma_semaphore, #tpu.memory_space<semaphore_mem>>) {add = true}
      %dma_wait3A_457 = arith.constant 14 : i32
      %dma_wait3A_458 = arith.constant 0 : i32
      %dma_wait3A_459 = tpu.memref_slice %arg11[%dma_wait3A_457, %dma_wait3A_458] : memref<16x80xi32, #tpu.memory_space<vmem>> -> memref<1x80xi32, #tpu.memory_space<vmem>>
      %dma_wait3A_460 = tpu.memref_squeeze %dma_wait3A_459 : memref<1x80xi32, #tpu.memory_space<vmem>> -> memref<80xi32, #tpu.memory_space<vmem>>
      %dma_wait3A_461 = arith.constant 0 : i32
      %dma_wait3A_462 = arith.constant 0 : i32
      %dma_wait3A_463 = tpu.memref_slice %arg9[%dma_wait3A_461, %dma_wait3A_462] : memref<10240x128xf32, #tpu.memory_space<vmem_shared>> -> memref<10240x128xf32, #tpu.memory_space<vmem_shared>>
      tpu.wait_indirect_dma semaphore(%arg16 : memref<!tpu.dma_semaphore, #tpu.memory_space<semaphore_mem>>) src(%arg12 : memref<80x128xf32, #tpu.memory_space<vmem>>) dst(%dma_wait3A_463 : memref<10240x128xf32, #tpu.memory_space<vmem_shared>>)
      %dma_wait3A_464 = arith.constant 15 : i32
      %dma_wait3A_465 = arith.constant 0 : i32
      %dma_wait3A_466 = tpu.memref_slice %arg11[%dma_wait3A_464, %dma_wait3A_465] : memref<16x80xi32, #tpu.memory_space<vmem>> -> memref<1x80xi32, #tpu.memory_space<vmem>>
      %dma_wait3A_467 = tpu.memref_squeeze %dma_wait3A_466 : memref<1x80xi32, #tpu.memory_space<vmem>> -> memref<80xi32, #tpu.memory_space<vmem>>
      %dma_wait3A_468 = arith.constant 0 : i32
      %dma_wait3A_469 = arith.constant 0 : i32
      %dma_wait3A_470 = tpu.memref_slice %arg9[%dma_wait3A_468, %dma_wait3A_469] : memref<10240x128xf32, #tpu.memory_space<vmem_shared>> -> memref<10240x128xf32, #tpu.memory_space<vmem_shared>>
      tpu.wait_indirect_dma semaphore(%arg16 : memref<!tpu.dma_semaphore, #tpu.memory_space<semaphore_mem>>) src(%arg13 : memref<80x128xf32, #tpu.memory_space<vmem>>) dst(%dma_wait3A_470 : memref<10240x128xf32, #tpu.memory_space<vmem_shared>>)
    }
    %scan3A_9 = arith.constant 16 : i32
    %barrier3A_10 = arith.constant 0 : index
    tpu.barrier barrier_id(%barrier3A_10)
    "tpu.region"() ({
      %run_scoped3A = tpu.sem_alloc : memref<!tpu.dma_semaphore, #tpu.memory_space<semaphore_mem>>
      %dma_start3A = arith.constant 0 : i32
      %dma_start3A_20 = tpu.memref_slice %arg7[%arg0, %multiple_of3A, %dma_start3A] : memref<2x10240x128xf32, #tpu.memory_space<hbm>> -> memref<1x640x128xf32, #tpu.memory_space<hbm>>
      %dma_start3A_21 = tpu.memref_squeeze %dma_start3A_20 : memref<1x640x128xf32, #tpu.memory_space<hbm>> -> memref<640x128xf32, #tpu.memory_space<hbm>>
      %dma_start3A_22 = arith.constant 0 : i32
      %dma_start3A_23 = tpu.memref_slice %arg9[%multiple_of3A, %dma_start3A_22] : memref<10240x128xf32, #tpu.memory_space<vmem_shared>> -> memref<640x128xf32, #tpu.memory_space<vmem_shared>>
      tpu.enqueue_dma source(%dma_start3A_23 : memref<640x128xf32, #tpu.memory_space<vmem_shared>>) target(%dma_start3A_21 : memref<640x128xf32, #tpu.memory_space<hbm>>) target_semaphore(%run_scoped3A : memref<!tpu.dma_semaphore, #tpu.memory_space<semaphore_mem>>)
      %dma_wait3A = arith.constant 0 : i32
      %dma_wait3A_24 = tpu.memref_slice %arg7[%arg0, %multiple_of3A, %dma_wait3A] : memref<2x10240x128xf32, #tpu.memory_space<hbm>> -> memref<1x640x128xf32, #tpu.memory_space<hbm>>
      %dma_wait3A_25 = tpu.memref_squeeze %dma_wait3A_24 : memref<1x640x128xf32, #tpu.memory_space<hbm>> -> memref<640x128xf32, #tpu.memory_space<hbm>>
      %dma_wait3A_26 = arith.constant 0 : i32
      %dma_wait3A_27 = tpu.memref_slice %arg9[%multiple_of3A, %dma_wait3A_26] : memref<10240x128xf32, #tpu.memory_space<vmem_shared>> -> memref<640x128xf32, #tpu.memory_space<vmem_shared>>
      tpu.wait_dma2 semaphore(%run_scoped3A : memref<!tpu.dma_semaphore, #tpu.memory_space<semaphore_mem>>) src(%dma_wait3A_27 : memref<640x128xf32, #tpu.memory_space<vmem_shared>>) dst(%dma_wait3A_25 : memref<640x128xf32, #tpu.memory_space<hbm>>)
      tpu.yield
    }) : () -> ()
    %barrier3A_11 = arith.constant 0 : index
    tpu.barrier barrier_id(%barrier3A_11)
    "tpu.region"() ({
      %run_scoped3A = tpu.sem_alloc : memref<!tpu.dma_semaphore, #tpu.memory_space<semaphore_mem>>
      %dma_start3A = arith.constant 0 : i32
      %dma_start3A_20 = tpu.memref_slice %arg9[%multiple_of3A, %dma_start3A] : memref<10240x128xf32, #tpu.memory_space<vmem_shared>> -> memref<640x128xf32, #tpu.memory_space<vmem_shared>>
      tpu.enqueue_dma source(%arg5 : memref<640x128xf32, #tpu.memory_space<hbm>>) target(%dma_start3A_20 : memref<640x128xf32, #tpu.memory_space<vmem_shared>>) target_semaphore(%run_scoped3A : memref<!tpu.dma_semaphore, #tpu.memory_space<semaphore_mem>>)
      %dma_wait3A = arith.constant 0 : i32
      %dma_wait3A_21 = tpu.memref_slice %arg9[%multiple_of3A, %dma_wait3A] : memref<10240x128xf32, #tpu.memory_space<vmem_shared>> -> memref<640x128xf32, #tpu.memory_space<vmem_shared>>
      tpu.wait_dma2 semaphore(%run_scoped3A : memref<!tpu.dma_semaphore, #tpu.memory_space<semaphore_mem>>) src(%arg5 : memref<640x128xf32, #tpu.memory_space<hbm>>) dst(%dma_wait3A_21 : memref<640x128xf32, #tpu.memory_space<vmem_shared>>)
      tpu.yield
    }) : () -> ()
    "tpu.region"() ({
      %run_scoped3A = tpu.sem_alloc : memref<!tpu.dma_semaphore, #tpu.memory_space<semaphore_mem>>
      tpu.enqueue_dma source(%arg6 : memref<80x128xf32, #tpu.memory_space<hbm>>) target(%arg12 : memref<80x128xf32, #tpu.memory_space<vmem>>) target_semaphore(%run_scoped3A : memref<!tpu.dma_semaphore, #tpu.memory_space<semaphore_mem>>)
      tpu.wait_dma2 semaphore(%run_scoped3A : memref<!tpu.dma_semaphore, #tpu.memory_space<semaphore_mem>>) src(%arg6 : memref<80x128xf32, #tpu.memory_space<hbm>>) dst(%arg12 : memref<80x128xf32, #tpu.memory_space<vmem>>)
      tpu.yield
    }) : () -> ()
    %barrier3A_12 = arith.constant 0 : index
    tpu.barrier barrier_id(%barrier3A_12)
    %scan3A_13 = arith.constant 0 : i32
    %scan3A_14 = arith.constant 0 : i32
    %scan3A_15 = arith.constant 16 : i32
    %scan3A_16 = arith.addi %scan3A_14, %scan3A_15 : i32
    %scan3A_17 = arith.constant 1 : i32
    scf.for %scan3A_20 = %scan3A_14 to %scan3A_16 step %scan3A_17  : i32 {
      %mul3A_21 = arith.constant 16 : i32
      %mul3A_22 = arith.muli %scan3A_20, %mul3A_21 : i32
      %add3A_23 = arith.addi %add3A, %mul3A_22 : i32
      %multiple_of3A_24 = tpu.assume_multiple %add3A_23, 8 : i32
      "tpu.region"() ({
        %run_scoped3A = tpu.sem_alloc : memref<!tpu.dma_semaphore, #tpu.memory_space<semaphore_mem>>
        %dma_start3A_247 = arith.constant 0 : i32
        %dma_start3A_248 = arith.constant 0 : i32
        %dma_start3A_249 = tpu.memref_slice %arg11[%dma_start3A_247, %dma_start3A_248] : memref<16x80xi32, #tpu.memory_space<vmem>> -> memref<16x80xi32, #tpu.memory_space<vmem>>
        %dma_start3A_250 = arith.constant 0 : i32
        %dma_start3A_251 = tpu.memref_slice %arg3[%multiple_of3A_24, %dma_start3A_250] : memref<8192x80xi32, #tpu.memory_space<hbm>> -> memref<16x80xi32, #tpu.memory_space<hbm>>
        %dma_start3A_252 = arith.constant 0 : i32
        %dma_start3A_253 = arith.constant 0 : i32
        %dma_start3A_254 = tpu.memref_slice %arg11[%dma_start3A_252, %dma_start3A_253] : memref<16x80xi32, #tpu.memory_space<vmem>> -> memref<16x80xi32, #tpu.memory_space<vmem>>
        %dma_start3A_255 = arith.constant 0 : i32
        %dma_start3A_256 = tpu.memref_slice %arg3[%multiple_of3A_24, %dma_start3A_255] : memref<8192x80xi32, #tpu.memory_space<hbm>> -> memref<16x80xi32, #tpu.memory_space<hbm>>
        tpu.enqueue_dma source(%dma_start3A_256 : memref<16x80xi32, #tpu.memory_space<hbm>>) target(%dma_start3A_254 : memref<16x80xi32, #tpu.memory_space<vmem>>) target_semaphore(%run_scoped3A : memref<!tpu.dma_semaphore, #tpu.memory_space<semaphore_mem>>)
        %dma_wait3A_257 = arith.constant 0 : i32
        %dma_wait3A_258 = arith.constant 0 : i32
        %dma_wait3A_259 = tpu.memref_slice %arg11[%dma_wait3A_257, %dma_wait3A_258] : memref<16x80xi32, #tpu.memory_space<vmem>> -> memref<16x80xi32, #tpu.memory_space<vmem>>
        %dma_wait3A_260 = arith.constant 0 : i32
        %dma_wait3A_261 = tpu.memref_slice %arg3[%multiple_of3A_24, %dma_wait3A_260] : memref<8192x80xi32, #tpu.memory_space<hbm>> -> memref<16x80xi32, #tpu.memory_space<hbm>>
        %dma_wait3A_262 = arith.constant 0 : i32
        %dma_wait3A_263 = arith.constant 0 : i32
        %dma_wait3A_264 = tpu.memref_slice %arg11[%dma_wait3A_262, %dma_wait3A_263] : memref<16x80xi32, #tpu.memory_space<vmem>> -> memref<16x80xi32, #tpu.memory_space<vmem>>
        %dma_wait3A_265 = arith.constant 0 : i32
        %dma_wait3A_266 = tpu.memref_slice %arg3[%multiple_of3A_24, %dma_wait3A_265] : memref<8192x80xi32, #tpu.memory_space<hbm>> -> memref<16x80xi32, #tpu.memory_space<hbm>>
        tpu.wait_dma2 semaphore(%run_scoped3A : memref<!tpu.dma_semaphore, #tpu.memory_space<semaphore_mem>>) src(%dma_wait3A_266 : memref<16x80xi32, #tpu.memory_space<hbm>>) dst(%dma_wait3A_264 : memref<16x80xi32, #tpu.memory_space<vmem>>)
        tpu.yield
      }) : () -> ()
      %dma_start3A = arith.constant 0 : i32
      %dma_start3A_25 = arith.constant 0 : i32
      %dma_start3A_26 = tpu.memref_slice %arg11[%dma_start3A, %dma_start3A_25] : memref<16x80xi32, #tpu.memory_space<vmem>> -> memref<1x80xi32, #tpu.memory_space<vmem>>
      %dma_start3A_27 = tpu.memref_squeeze %dma_start3A_26 : memref<1x80xi32, #tpu.memory_space<vmem>> -> memref<80xi32, #tpu.memory_space<vmem>>
      %dma_start3A_28 = arith.constant 0 : i32
      %dma_start3A_29 = arith.constant 0 : i32
      %dma_start3A_30 = tpu.memref_slice %arg9[%dma_start3A_28, %dma_start3A_29] : memref<10240x128xf32, #tpu.memory_space<vmem_shared>> -> memref<10240x128xf32, #tpu.memory_space<vmem_shared>>
      tpu.enqueue_indirect_dma source(%arg12 : memref<80x128xf32, #tpu.memory_space<vmem>>) target(%dma_start3A_30 : memref<10240x128xf32, #tpu.memory_space<vmem_shared>>) offsets(%dma_start3A_27 : memref<80xi32, #tpu.memory_space<vmem>>) semaphore(%arg14 : memref<!tpu.dma_semaphore, #tpu.memory_space<semaphore_mem>>) {add = true}
      %dma_start3A_31 = arith.constant 1 : i32
      %dma_start3A_32 = arith.constant 0 : i32
      %dma_start3A_33 = tpu.memref_slice %arg11[%dma_start3A_31, %dma_start3A_32] : memref<16x80xi32, #tpu.memory_space<vmem>> -> memref<1x80xi32, #tpu.memory_space<vmem>>
      %dma_start3A_34 = tpu.memref_squeeze %dma_start3A_33 : memref<1x80xi32, #tpu.memory_space<vmem>> -> memref<80xi32, #tpu.memory_space<vmem>>
      %dma_start3A_35 = arith.constant 0 : i32
      %dma_start3A_36 = arith.constant 0 : i32
      %dma_start3A_37 = tpu.memref_slice %arg9[%dma_start3A_35, %dma_start3A_36] : memref<10240x128xf32, #tpu.memory_space<vmem_shared>> -> memref<10240x128xf32, #tpu.memory_space<vmem_shared>>
      tpu.enqueue_indirect_dma source(%arg12 : memref<80x128xf32, #tpu.memory_space<vmem>>) target(%dma_start3A_37 : memref<10240x128xf32, #tpu.memory_space<vmem_shared>>) offsets(%dma_start3A_34 : memref<80xi32, #tpu.memory_space<vmem>>) semaphore(%arg14 : memref<!tpu.dma_semaphore, #tpu.memory_space<semaphore_mem>>) {add = true}
      %dma_start3A_38 = arith.constant 2 : i32
      %dma_start3A_39 = arith.constant 0 : i32
      %dma_start3A_40 = tpu.memref_slice %arg11[%dma_start3A_38, %dma_start3A_39] : memref<16x80xi32, #tpu.memory_space<vmem>> -> memref<1x80xi32, #tpu.memory_space<vmem>>
      %dma_start3A_41 = tpu.memref_squeeze %dma_start3A_40 : memref<1x80xi32, #tpu.memory_space<vmem>> -> memref<80xi32, #tpu.memory_space<vmem>>
      %dma_start3A_42 = arith.constant 0 : i32
      %dma_start3A_43 = arith.constant 0 : i32
      %dma_start3A_44 = tpu.memref_slice %arg9[%dma_start3A_42, %dma_start3A_43] : memref<10240x128xf32, #tpu.memory_space<vmem_shared>> -> memref<10240x128xf32, #tpu.memory_space<vmem_shared>>
      tpu.enqueue_indirect_dma source(%arg12 : memref<80x128xf32, #tpu.memory_space<vmem>>) target(%dma_start3A_44 : memref<10240x128xf32, #tpu.memory_space<vmem_shared>>) offsets(%dma_start3A_41 : memref<80xi32, #tpu.memory_space<vmem>>) semaphore(%arg14 : memref<!tpu.dma_semaphore, #tpu.memory_space<semaphore_mem>>) {add = true}
      %dma_start3A_45 = arith.constant 3 : i32
      %dma_start3A_46 = arith.constant 0 : i32
      %dma_start3A_47 = tpu.memref_slice %arg11[%dma_start3A_45, %dma_start3A_46] : memref<16x80xi32, #tpu.memory_space<vmem>> -> memref<1x80xi32, #tpu.memory_space<vmem>>
      %dma_start3A_48 = tpu.memref_squeeze %dma_start3A_47 : memref<1x80xi32, #tpu.memory_space<vmem>> -> memref<80xi32, #tpu.memory_space<vmem>>
      %dma_start3A_49 = arith.constant 0 : i32
      %dma_start3A_50 = arith.constant 0 : i32
      %dma_start3A_51 = tpu.memref_slice %arg9[%dma_start3A_49, %dma_start3A_50] : memref<10240x128xf32, #tpu.memory_space<vmem_shared>> -> memref<10240x128xf32, #tpu.memory_space<vmem_shared>>
      tpu.enqueue_indirect_dma source(%arg12 : memref<80x128xf32, #tpu.memory_space<vmem>>) target(%dma_start3A_51 : memref<10240x128xf32, #tpu.memory_space<vmem_shared>>) offsets(%dma_start3A_48 : memref<80xi32, #tpu.memory_space<vmem>>) semaphore(%arg14 : memref<!tpu.dma_semaphore, #tpu.memory_space<semaphore_mem>>) {add = true}
      %dma_wait3A = arith.constant 0 : i32
      %dma_wait3A_52 = arith.constant 0 : i32
      %dma_wait3A_53 = tpu.memref_slice %arg11[%dma_wait3A, %dma_wait3A_52] : memref<16x80xi32, #tpu.memory_space<vmem>> -> memref<1x80xi32, #tpu.memory_space<vmem>>
      %dma_wait3A_54 = tpu.memref_squeeze %dma_wait3A_53 : memref<1x80xi32, #tpu.memory_space<vmem>> -> memref<80xi32, #tpu.memory_space<vmem>>
      %dma_wait3A_55 = arith.constant 0 : i32
      %dma_wait3A_56 = arith.constant 0 : i32
      %dma_wait3A_57 = tpu.memref_slice %arg9[%dma_wait3A_55, %dma_wait3A_56] : memref<10240x128xf32, #tpu.memory_space<vmem_shared>> -> memref<10240x128xf32, #tpu.memory_space<vmem_shared>>
      tpu.wait_indirect_dma semaphore(%arg14 : memref<!tpu.dma_semaphore, #tpu.memory_space<semaphore_mem>>) src(%arg12 : memref<80x128xf32, #tpu.memory_space<vmem>>) dst(%dma_wait3A_57 : memref<10240x128xf32, #tpu.memory_space<vmem_shared>>)
      %dma_start3A_58 = arith.constant 4 : i32
      %dma_start3A_59 = arith.constant 0 : i32
      %dma_start3A_60 = tpu.memref_slice %arg11[%dma_start3A_58, %dma_start3A_59] : memref<16x80xi32, #tpu.memory_space<vmem>> -> memref<1x80xi32, #tpu.memory_space<vmem>>
      %dma_start3A_61 = tpu.memref_squeeze %dma_start3A_60 : memref<1x80xi32, #tpu.memory_space<vmem>> -> memref<80xi32, #tpu.memory_space<vmem>>
      %dma_start3A_62 = arith.constant 0 : i32
      %dma_start3A_63 = arith.constant 0 : i32
      %dma_start3A_64 = tpu.memref_slice %arg9[%dma_start3A_62, %dma_start3A_63] : memref<10240x128xf32, #tpu.memory_space<vmem_shared>> -> memref<10240x128xf32, #tpu.memory_space<vmem_shared>>
      tpu.enqueue_indirect_dma source(%arg12 : memref<80x128xf32, #tpu.memory_space<vmem>>) target(%dma_start3A_64 : memref<10240x128xf32, #tpu.memory_space<vmem_shared>>) offsets(%dma_start3A_61 : memref<80xi32, #tpu.memory_space<vmem>>) semaphore(%arg14 : memref<!tpu.dma_semaphore, #tpu.memory_space<semaphore_mem>>) {add = true}
      %dma_wait3A_65 = arith.constant 1 : i32
      %dma_wait3A_66 = arith.constant 0 : i32
      %dma_wait3A_67 = tpu.memref_slice %arg11[%dma_wait3A_65, %dma_wait3A_66] : memref<16x80xi32, #tpu.memory_space<vmem>> -> memref<1x80xi32, #tpu.memory_space<vmem>>
      %dma_wait3A_68 = tpu.memref_squeeze %dma_wait3A_67 : memref<1x80xi32, #tpu.memory_space<vmem>> -> memref<80xi32, #tpu.memory_space<vmem>>
      %dma_wait3A_69 = arith.constant 0 : i32
      %dma_wait3A_70 = arith.constant 0 : i32
      %dma_wait3A_71 = tpu.memref_slice %arg9[%dma_wait3A_69, %dma_wait3A_70] : memref<10240x128xf32, #tpu.memory_space<vmem_shared>> -> memref<10240x128xf32, #tpu.memory_space<vmem_shared>>
      tpu.wait_indirect_dma semaphore(%arg14 : memref<!tpu.dma_semaphore, #tpu.memory_space<semaphore_mem>>) src(%arg12 : memref<80x128xf32, #tpu.memory_space<vmem>>) dst(%dma_wait3A_71 : memref<10240x128xf32, #tpu.memory_space<vmem_shared>>)
      %dma_start3A_72 = arith.constant 5 : i32
      %dma_start3A_73 = arith.constant 0 : i32
      %dma_start3A_74 = tpu.memref_slice %arg11[%dma_start3A_72, %dma_start3A_73] : memref<16x80xi32, #tpu.memory_space<vmem>> -> memref<1x80xi32, #tpu.memory_space<vmem>>
      %dma_start3A_75 = tpu.memref_squeeze %dma_start3A_74 : memref<1x80xi32, #tpu.memory_space<vmem>> -> memref<80xi32, #tpu.memory_space<vmem>>
      %dma_start3A_76 = arith.constant 0 : i32
      %dma_start3A_77 = arith.constant 0 : i32
      %dma_start3A_78 = tpu.memref_slice %arg9[%dma_start3A_76, %dma_start3A_77] : memref<10240x128xf32, #tpu.memory_space<vmem_shared>> -> memref<10240x128xf32, #tpu.memory_space<vmem_shared>>
      tpu.enqueue_indirect_dma source(%arg12 : memref<80x128xf32, #tpu.memory_space<vmem>>) target(%dma_start3A_78 : memref<10240x128xf32, #tpu.memory_space<vmem_shared>>) offsets(%dma_start3A_75 : memref<80xi32, #tpu.memory_space<vmem>>) semaphore(%arg14 : memref<!tpu.dma_semaphore, #tpu.memory_space<semaphore_mem>>) {add = true}
      %dma_wait3A_79 = arith.constant 2 : i32
      %dma_wait3A_80 = arith.constant 0 : i32
      %dma_wait3A_81 = tpu.memref_slice %arg11[%dma_wait3A_79, %dma_wait3A_80] : memref<16x80xi32, #tpu.memory_space<vmem>> -> memref<1x80xi32, #tpu.memory_space<vmem>>
      %dma_wait3A_82 = tpu.memref_squeeze %dma_wait3A_81 : memref<1x80xi32, #tpu.memory_space<vmem>> -> memref<80xi32, #tpu.memory_space<vmem>>
      %dma_wait3A_83 = arith.constant 0 : i32
      %dma_wait3A_84 = arith.constant 0 : i32
      %dma_wait3A_85 = tpu.memref_slice %arg9[%dma_wait3A_83, %dma_wait3A_84] : memref<10240x128xf32, #tpu.memory_space<vmem_shared>> -> memref<10240x128xf32, #tpu.memory_space<vmem_shared>>
      tpu.wait_indirect_dma semaphore(%arg14 : memref<!tpu.dma_semaphore, #tpu.memory_space<semaphore_mem>>) src(%arg12 : memref<80x128xf32, #tpu.memory_space<vmem>>) dst(%dma_wait3A_85 : memref<10240x128xf32, #tpu.memory_space<vmem_shared>>)
      %dma_start3A_86 = arith.constant 6 : i32
      %dma_start3A_87 = arith.constant 0 : i32
      %dma_start3A_88 = tpu.memref_slice %arg11[%dma_start3A_86, %dma_start3A_87] : memref<16x80xi32, #tpu.memory_space<vmem>> -> memref<1x80xi32, #tpu.memory_space<vmem>>
      %dma_start3A_89 = tpu.memref_squeeze %dma_start3A_88 : memref<1x80xi32, #tpu.memory_space<vmem>> -> memref<80xi32, #tpu.memory_space<vmem>>
      %dma_start3A_90 = arith.constant 0 : i32
      %dma_start3A_91 = arith.constant 0 : i32
      %dma_start3A_92 = tpu.memref_slice %arg9[%dma_start3A_90, %dma_start3A_91] : memref<10240x128xf32, #tpu.memory_space<vmem_shared>> -> memref<10240x128xf32, #tpu.memory_space<vmem_shared>>
      tpu.enqueue_indirect_dma source(%arg12 : memref<80x128xf32, #tpu.memory_space<vmem>>) target(%dma_start3A_92 : memref<10240x128xf32, #tpu.memory_space<vmem_shared>>) offsets(%dma_start3A_89 : memref<80xi32, #tpu.memory_space<vmem>>) semaphore(%arg14 : memref<!tpu.dma_semaphore, #tpu.memory_space<semaphore_mem>>) {add = true}
      %dma_wait3A_93 = arith.constant 3 : i32
      %dma_wait3A_94 = arith.constant 0 : i32
      %dma_wait3A_95 = tpu.memref_slice %arg11[%dma_wait3A_93, %dma_wait3A_94] : memref<16x80xi32, #tpu.memory_space<vmem>> -> memref<1x80xi32, #tpu.memory_space<vmem>>
      %dma_wait3A_96 = tpu.memref_squeeze %dma_wait3A_95 : memref<1x80xi32, #tpu.memory_space<vmem>> -> memref<80xi32, #tpu.memory_space<vmem>>
      %dma_wait3A_97 = arith.constant 0 : i32
      %dma_wait3A_98 = arith.constant 0 : i32
      %dma_wait3A_99 = tpu.memref_slice %arg9[%dma_wait3A_97, %dma_wait3A_98] : memref<10240x128xf32, #tpu.memory_space<vmem_shared>> -> memref<10240x128xf32, #tpu.memory_space<vmem_shared>>
      tpu.wait_indirect_dma semaphore(%arg14 : memref<!tpu.dma_semaphore, #tpu.memory_space<semaphore_mem>>) src(%arg12 : memref<80x128xf32, #tpu.memory_space<vmem>>) dst(%dma_wait3A_99 : memref<10240x128xf32, #tpu.memory_space<vmem_shared>>)
      %dma_start3A_100 = arith.constant 7 : i32
      %dma_start3A_101 = arith.constant 0 : i32
      %dma_start3A_102 = tpu.memref_slice %arg11[%dma_start3A_100, %dma_start3A_101] : memref<16x80xi32, #tpu.memory_space<vmem>> -> memref<1x80xi32, #tpu.memory_space<vmem>>
      %dma_start3A_103 = tpu.memref_squeeze %dma_start3A_102 : memref<1x80xi32, #tpu.memory_space<vmem>> -> memref<80xi32, #tpu.memory_space<vmem>>
      %dma_start3A_104 = arith.constant 0 : i32
      %dma_start3A_105 = arith.constant 0 : i32
      %dma_start3A_106 = tpu.memref_slice %arg9[%dma_start3A_104, %dma_start3A_105] : memref<10240x128xf32, #tpu.memory_space<vmem_shared>> -> memref<10240x128xf32, #tpu.memory_space<vmem_shared>>
      tpu.enqueue_indirect_dma source(%arg12 : memref<80x128xf32, #tpu.memory_space<vmem>>) target(%dma_start3A_106 : memref<10240x128xf32, #tpu.memory_space<vmem_shared>>) offsets(%dma_start3A_103 : memref<80xi32, #tpu.memory_space<vmem>>) semaphore(%arg14 : memref<!tpu.dma_semaphore, #tpu.memory_space<semaphore_mem>>) {add = true}
      %dma_wait3A_107 = arith.constant 4 : i32
      %dma_wait3A_108 = arith.constant 0 : i32
      %dma_wait3A_109 = tpu.memref_slice %arg11[%dma_wait3A_107, %dma_wait3A_108] : memref<16x80xi32, #tpu.memory_space<vmem>> -> memref<1x80xi32, #tpu.memory_space<vmem>>
      %dma_wait3A_110 = tpu.memref_squeeze %dma_wait3A_109 : memref<1x80xi32, #tpu.memory_space<vmem>> -> memref<80xi32, #tpu.memory_space<vmem>>
      %dma_wait3A_111 = arith.constant 0 : i32
      %dma_wait3A_112 = arith.constant 0 : i32
      %dma_wait3A_113 = tpu.memref_slice %arg9[%dma_wait3A_111, %dma_wait3A_112] : memref<10240x128xf32, #tpu.memory_space<vmem_shared>> -> memref<10240x128xf32, #tpu.memory_space<vmem_shared>>
      tpu.wait_indirect_dma semaphore(%arg14 : memref<!tpu.dma_semaphore, #tpu.memory_space<semaphore_mem>>) src(%arg12 : memref<80x128xf32, #tpu.memory_space<vmem>>) dst(%dma_wait3A_113 : memref<10240x128xf32, #tpu.memory_space<vmem_shared>>)
      %dma_start3A_114 = arith.constant 8 : i32
      %dma_start3A_115 = arith.constant 0 : i32
      %dma_start3A_116 = tpu.memref_slice %arg11[%dma_start3A_114, %dma_start3A_115] : memref<16x80xi32, #tpu.memory_space<vmem>> -> memref<1x80xi32, #tpu.memory_space<vmem>>
      %dma_start3A_117 = tpu.memref_squeeze %dma_start3A_116 : memref<1x80xi32, #tpu.memory_space<vmem>> -> memref<80xi32, #tpu.memory_space<vmem>>
      %dma_start3A_118 = arith.constant 0 : i32
      %dma_start3A_119 = arith.constant 0 : i32
      %dma_start3A_120 = tpu.memref_slice %arg9[%dma_start3A_118, %dma_start3A_119] : memref<10240x128xf32, #tpu.memory_space<vmem_shared>> -> memref<10240x128xf32, #tpu.memory_space<vmem_shared>>
      tpu.enqueue_indirect_dma source(%arg12 : memref<80x128xf32, #tpu.memory_space<vmem>>) target(%dma_start3A_120 : memref<10240x128xf32, #tpu.memory_space<vmem_shared>>) offsets(%dma_start3A_117 : memref<80xi32, #tpu.memory_space<vmem>>) semaphore(%arg14 : memref<!tpu.dma_semaphore, #tpu.memory_space<semaphore_mem>>) {add = true}
      %dma_wait3A_121 = arith.constant 5 : i32
      %dma_wait3A_122 = arith.constant 0 : i32
      %dma_wait3A_123 = tpu.memref_slice %arg11[%dma_wait3A_121, %dma_wait3A_122] : memref<16x80xi32, #tpu.memory_space<vmem>> -> memref<1x80xi32, #tpu.memory_space<vmem>>
      %dma_wait3A_124 = tpu.memref_squeeze %dma_wait3A_123 : memref<1x80xi32, #tpu.memory_space<vmem>> -> memref<80xi32, #tpu.memory_space<vmem>>
      %dma_wait3A_125 = arith.constant 0 : i32
      %dma_wait3A_126 = arith.constant 0 : i32
      %dma_wait3A_127 = tpu.memref_slice %arg9[%dma_wait3A_125, %dma_wait3A_126] : memref<10240x128xf32, #tpu.memory_space<vmem_shared>> -> memref<10240x128xf32, #tpu.memory_space<vmem_shared>>
      tpu.wait_indirect_dma semaphore(%arg14 : memref<!tpu.dma_semaphore, #tpu.memory_space<semaphore_mem>>) src(%arg12 : memref<80x128xf32, #tpu.memory_space<vmem>>) dst(%dma_wait3A_127 : memref<10240x128xf32, #tpu.memory_space<vmem_shared>>)
      %dma_start3A_128 = arith.constant 9 : i32
      %dma_start3A_129 = arith.constant 0 : i32
      %dma_start3A_130 = tpu.memref_slice %arg11[%dma_start3A_128, %dma_start3A_129] : memref<16x80xi32, #tpu.memory_space<vmem>> -> memref<1x80xi32, #tpu.memory_space<vmem>>
      %dma_start3A_131 = tpu.memref_squeeze %dma_start3A_130 : memref<1x80xi32, #tpu.memory_space<vmem>> -> memref<80xi32, #tpu.memory_space<vmem>>
      %dma_start3A_132 = arith.constant 0 : i32
      %dma_start3A_133 = arith.constant 0 : i32
      %dma_start3A_134 = tpu.memref_slice %arg9[%dma_start3A_132, %dma_start3A_133] : memref<10240x128xf32, #tpu.memory_space<vmem_shared>> -> memref<10240x128xf32, #tpu.memory_space<vmem_shared>>
      tpu.enqueue_indirect_dma source(%arg12 : memref<80x128xf32, #tpu.memory_space<vmem>>) target(%dma_start3A_134 : memref<10240x128xf32, #tpu.memory_space<vmem_shared>>) offsets(%dma_start3A_131 : memref<80xi32, #tpu.memory_space<vmem>>) semaphore(%arg14 : memref<!tpu.dma_semaphore, #tpu.memory_space<semaphore_mem>>) {add = true}
      %dma_wait3A_135 = arith.constant 6 : i32
      %dma_wait3A_136 = arith.constant 0 : i32
      %dma_wait3A_137 = tpu.memref_slice %arg11[%dma_wait3A_135, %dma_wait3A_136] : memref<16x80xi32, #tpu.memory_space<vmem>> -> memref<1x80xi32, #tpu.memory_space<vmem>>
      %dma_wait3A_138 = tpu.memref_squeeze %dma_wait3A_137 : memref<1x80xi32, #tpu.memory_space<vmem>> -> memref<80xi32, #tpu.memory_space<vmem>>
      %dma_wait3A_139 = arith.constant 0 : i32
      %dma_wait3A_140 = arith.constant 0 : i32
      %dma_wait3A_141 = tpu.memref_slice %arg9[%dma_wait3A_139, %dma_wait3A_140] : memref<10240x128xf32, #tpu.memory_space<vmem_shared>> -> memref<10240x128xf32, #tpu.memory_space<vmem_shared>>
      tpu.wait_indirect_dma semaphore(%arg14 : memref<!tpu.dma_semaphore, #tpu.memory_space<semaphore_mem>>) src(%arg12 : memref<80x128xf32, #tpu.memory_space<vmem>>) dst(%dma_wait3A_141 : memref<10240x128xf32, #tpu.memory_space<vmem_shared>>)
      %dma_start3A_142 = arith.constant 10 : i32
      %dma_start3A_143 = arith.constant 0 : i32
      %dma_start3A_144 = tpu.memref_slice %arg11[%dma_start3A_142, %dma_start3A_143] : memref<16x80xi32, #tpu.memory_space<vmem>> -> memref<1x80xi32, #tpu.memory_space<vmem>>
      %dma_start3A_145 = tpu.memref_squeeze %dma_start3A_144 : memref<1x80xi32, #tpu.memory_space<vmem>> -> memref<80xi32, #tpu.memory_space<vmem>>
      %dma_start3A_146 = arith.constant 0 : i32
      %dma_start3A_147 = arith.constant 0 : i32
      %dma_start3A_148 = tpu.memref_slice %arg9[%dma_start3A_146, %dma_start3A_147] : memref<10240x128xf32, #tpu.memory_space<vmem_shared>> -> memref<10240x128xf32, #tpu.memory_space<vmem_shared>>
      tpu.enqueue_indirect_dma source(%arg12 : memref<80x128xf32, #tpu.memory_space<vmem>>) target(%dma_start3A_148 : memref<10240x128xf32, #tpu.memory_space<vmem_shared>>) offsets(%dma_start3A_145 : memref<80xi32, #tpu.memory_space<vmem>>) semaphore(%arg14 : memref<!tpu.dma_semaphore, #tpu.memory_space<semaphore_mem>>) {add = true}
      %dma_wait3A_149 = arith.constant 7 : i32
      %dma_wait3A_150 = arith.constant 0 : i32
      %dma_wait3A_151 = tpu.memref_slice %arg11[%dma_wait3A_149, %dma_wait3A_150] : memref<16x80xi32, #tpu.memory_space<vmem>> -> memref<1x80xi32, #tpu.memory_space<vmem>>
      %dma_wait3A_152 = tpu.memref_squeeze %dma_wait3A_151 : memref<1x80xi32, #tpu.memory_space<vmem>> -> memref<80xi32, #tpu.memory_space<vmem>>
      %dma_wait3A_153 = arith.constant 0 : i32
      %dma_wait3A_154 = arith.constant 0 : i32
      %dma_wait3A_155 = tpu.memref_slice %arg9[%dma_wait3A_153, %dma_wait3A_154] : memref<10240x128xf32, #tpu.memory_space<vmem_shared>> -> memref<10240x128xf32, #tpu.memory_space<vmem_shared>>
      tpu.wait_indirect_dma semaphore(%arg14 : memref<!tpu.dma_semaphore, #tpu.memory_space<semaphore_mem>>) src(%arg12 : memref<80x128xf32, #tpu.memory_space<vmem>>) dst(%dma_wait3A_155 : memref<10240x128xf32, #tpu.memory_space<vmem_shared>>)
      %dma_start3A_156 = arith.constant 11 : i32
      %dma_start3A_157 = arith.constant 0 : i32
      %dma_start3A_158 = tpu.memref_slice %arg11[%dma_start3A_156, %dma_start3A_157] : memref<16x80xi32, #tpu.memory_space<vmem>> -> memref<1x80xi32, #tpu.memory_space<vmem>>
      %dma_start3A_159 = tpu.memref_squeeze %dma_start3A_158 : memref<1x80xi32, #tpu.memory_space<vmem>> -> memref<80xi32, #tpu.memory_space<vmem>>
      %dma_start3A_160 = arith.constant 0 : i32
      %dma_start3A_161 = arith.constant 0 : i32
      %dma_start3A_162 = tpu.memref_slice %arg9[%dma_start3A_160, %dma_start3A_161] : memref<10240x128xf32, #tpu.memory_space<vmem_shared>> -> memref<10240x128xf32, #tpu.memory_space<vmem_shared>>
      tpu.enqueue_indirect_dma source(%arg12 : memref<80x128xf32, #tpu.memory_space<vmem>>) target(%dma_start3A_162 : memref<10240x128xf32, #tpu.memory_space<vmem_shared>>) offsets(%dma_start3A_159 : memref<80xi32, #tpu.memory_space<vmem>>) semaphore(%arg14 : memref<!tpu.dma_semaphore, #tpu.memory_space<semaphore_mem>>) {add = true}
      %dma_wait3A_163 = arith.constant 8 : i32
      %dma_wait3A_164 = arith.constant 0 : i32
      %dma_wait3A_165 = tpu.memref_slice %arg11[%dma_wait3A_163, %dma_wait3A_164] : memref<16x80xi32, #tpu.memory_space<vmem>> -> memref<1x80xi32, #tpu.memory_space<vmem>>
      %dma_wait3A_166 = tpu.memref_squeeze %dma_wait3A_165 : memref<1x80xi32, #tpu.memory_space<vmem>> -> memref<80xi32, #tpu.memory_space<vmem>>
      %dma_wait3A_167 = arith.constant 0 : i32
      %dma_wait3A_168 = arith.constant 0 : i32
      %dma_wait3A_169 = tpu.memref_slice %arg9[%dma_wait3A_167, %dma_wait3A_168] : memref<10240x128xf32, #tpu.memory_space<vmem_shared>> -> memref<10240x128xf32, #tpu.memory_space<vmem_shared>>
      tpu.wait_indirect_dma semaphore(%arg14 : memref<!tpu.dma_semaphore, #tpu.memory_space<semaphore_mem>>) src(%arg12 : memref<80x128xf32, #tpu.memory_space<vmem>>) dst(%dma_wait3A_169 : memref<10240x128xf32, #tpu.memory_space<vmem_shared>>)
      %dma_start3A_170 = arith.constant 12 : i32
      %dma_start3A_171 = arith.constant 0 : i32
      %dma_start3A_172 = tpu.memref_slice %arg11[%dma_start3A_170, %dma_start3A_171] : memref<16x80xi32, #tpu.memory_space<vmem>> -> memref<1x80xi32, #tpu.memory_space<vmem>>
      %dma_start3A_173 = tpu.memref_squeeze %dma_start3A_172 : memref<1x80xi32, #tpu.memory_space<vmem>> -> memref<80xi32, #tpu.memory_space<vmem>>
      %dma_start3A_174 = arith.constant 0 : i32
      %dma_start3A_175 = arith.constant 0 : i32
      %dma_start3A_176 = tpu.memref_slice %arg9[%dma_start3A_174, %dma_start3A_175] : memref<10240x128xf32, #tpu.memory_space<vmem_shared>> -> memref<10240x128xf32, #tpu.memory_space<vmem_shared>>
      tpu.enqueue_indirect_dma source(%arg12 : memref<80x128xf32, #tpu.memory_space<vmem>>) target(%dma_start3A_176 : memref<10240x128xf32, #tpu.memory_space<vmem_shared>>) offsets(%dma_start3A_173 : memref<80xi32, #tpu.memory_space<vmem>>) semaphore(%arg14 : memref<!tpu.dma_semaphore, #tpu.memory_space<semaphore_mem>>) {add = true}
      %dma_wait3A_177 = arith.constant 9 : i32
      %dma_wait3A_178 = arith.constant 0 : i32
      %dma_wait3A_179 = tpu.memref_slice %arg11[%dma_wait3A_177, %dma_wait3A_178] : memref<16x80xi32, #tpu.memory_space<vmem>> -> memref<1x80xi32, #tpu.memory_space<vmem>>
      %dma_wait3A_180 = tpu.memref_squeeze %dma_wait3A_179 : memref<1x80xi32, #tpu.memory_space<vmem>> -> memref<80xi32, #tpu.memory_space<vmem>>
      %dma_wait3A_181 = arith.constant 0 : i32
      %dma_wait3A_182 = arith.constant 0 : i32
      %dma_wait3A_183 = tpu.memref_slice %arg9[%dma_wait3A_181, %dma_wait3A_182] : memref<10240x128xf32, #tpu.memory_space<vmem_shared>> -> memref<10240x128xf32, #tpu.memory_space<vmem_shared>>
      tpu.wait_indirect_dma semaphore(%arg14 : memref<!tpu.dma_semaphore, #tpu.memory_space<semaphore_mem>>) src(%arg12 : memref<80x128xf32, #tpu.memory_space<vmem>>) dst(%dma_wait3A_183 : memref<10240x128xf32, #tpu.memory_space<vmem_shared>>)
      %dma_start3A_184 = arith.constant 13 : i32
      %dma_start3A_185 = arith.constant 0 : i32
      %dma_start3A_186 = tpu.memref_slice %arg11[%dma_start3A_184, %dma_start3A_185] : memref<16x80xi32, #tpu.memory_space<vmem>> -> memref<1x80xi32, #tpu.memory_space<vmem>>
      %dma_start3A_187 = tpu.memref_squeeze %dma_start3A_186 : memref<1x80xi32, #tpu.memory_space<vmem>> -> memref<80xi32, #tpu.memory_space<vmem>>
      %dma_start3A_188 = arith.constant 0 : i32
      %dma_start3A_189 = arith.constant 0 : i32
      %dma_start3A_190 = tpu.memref_slice %arg9[%dma_start3A_188, %dma_start3A_189] : memref<10240x128xf32, #tpu.memory_space<vmem_shared>> -> memref<10240x128xf32, #tpu.memory_space<vmem_shared>>
      tpu.enqueue_indirect_dma source(%arg12 : memref<80x128xf32, #tpu.memory_space<vmem>>) target(%dma_start3A_190 : memref<10240x128xf32, #tpu.memory_space<vmem_shared>>) offsets(%dma_start3A_187 : memref<80xi32, #tpu.memory_space<vmem>>) semaphore(%arg14 : memref<!tpu.dma_semaphore, #tpu.memory_space<semaphore_mem>>) {add = true}
      %dma_wait3A_191 = arith.constant 10 : i32
      %dma_wait3A_192 = arith.constant 0 : i32
      %dma_wait3A_193 = tpu.memref_slice %arg11[%dma_wait3A_191, %dma_wait3A_192] : memref<16x80xi32, #tpu.memory_space<vmem>> -> memref<1x80xi32, #tpu.memory_space<vmem>>
      %dma_wait3A_194 = tpu.memref_squeeze %dma_wait3A_193 : memref<1x80xi32, #tpu.memory_space<vmem>> -> memref<80xi32, #tpu.memory_space<vmem>>
      %dma_wait3A_195 = arith.constant 0 : i32
      %dma_wait3A_196 = arith.constant 0 : i32
      %dma_wait3A_197 = tpu.memref_slice %arg9[%dma_wait3A_195, %dma_wait3A_196] : memref<10240x128xf32, #tpu.memory_space<vmem_shared>> -> memref<10240x128xf32, #tpu.memory_space<vmem_shared>>
      tpu.wait_indirect_dma semaphore(%arg14 : memref<!tpu.dma_semaphore, #tpu.memory_space<semaphore_mem>>) src(%arg12 : memref<80x128xf32, #tpu.memory_space<vmem>>) dst(%dma_wait3A_197 : memref<10240x128xf32, #tpu.memory_space<vmem_shared>>)
      %dma_start3A_198 = arith.constant 14 : i32
      %dma_start3A_199 = arith.constant 0 : i32
      %dma_start3A_200 = tpu.memref_slice %arg11[%dma_start3A_198, %dma_start3A_199] : memref<16x80xi32, #tpu.memory_space<vmem>> -> memref<1x80xi32, #tpu.memory_space<vmem>>
      %dma_start3A_201 = tpu.memref_squeeze %dma_start3A_200 : memref<1x80xi32, #tpu.memory_space<vmem>> -> memref<80xi32, #tpu.memory_space<vmem>>
      %dma_start3A_202 = arith.constant 0 : i32
      %dma_start3A_203 = arith.constant 0 : i32
      %dma_start3A_204 = tpu.memref_slice %arg9[%dma_start3A_202, %dma_start3A_203] : memref<10240x128xf32, #tpu.memory_space<vmem_shared>> -> memref<10240x128xf32, #tpu.memory_space<vmem_shared>>
      tpu.enqueue_indirect_dma source(%arg12 : memref<80x128xf32, #tpu.memory_space<vmem>>) target(%dma_start3A_204 : memref<10240x128xf32, #tpu.memory_space<vmem_shared>>) offsets(%dma_start3A_201 : memref<80xi32, #tpu.memory_space<vmem>>) semaphore(%arg14 : memref<!tpu.dma_semaphore, #tpu.memory_space<semaphore_mem>>) {add = true}
      %dma_wait3A_205 = arith.constant 11 : i32
      %dma_wait3A_206 = arith.constant 0 : i32
      %dma_wait3A_207 = tpu.memref_slice %arg11[%dma_wait3A_205, %dma_wait3A_206] : memref<16x80xi32, #tpu.memory_space<vmem>> -> memref<1x80xi32, #tpu.memory_space<vmem>>
      %dma_wait3A_208 = tpu.memref_squeeze %dma_wait3A_207 : memref<1x80xi32, #tpu.memory_space<vmem>> -> memref<80xi32, #tpu.memory_space<vmem>>
      %dma_wait3A_209 = arith.constant 0 : i32
      %dma_wait3A_210 = arith.constant 0 : i32
      %dma_wait3A_211 = tpu.memref_slice %arg9[%dma_wait3A_209, %dma_wait3A_210] : memref<10240x128xf32, #tpu.memory_space<vmem_shared>> -> memref<10240x128xf32, #tpu.memory_space<vmem_shared>>
      tpu.wait_indirect_dma semaphore(%arg14 : memref<!tpu.dma_semaphore, #tpu.memory_space<semaphore_mem>>) src(%arg12 : memref<80x128xf32, #tpu.memory_space<vmem>>) dst(%dma_wait3A_211 : memref<10240x128xf32, #tpu.memory_space<vmem_shared>>)
      %dma_start3A_212 = arith.constant 15 : i32
      %dma_start3A_213 = arith.constant 0 : i32
      %dma_start3A_214 = tpu.memref_slice %arg11[%dma_start3A_212, %dma_start3A_213] : memref<16x80xi32, #tpu.memory_space<vmem>> -> memref<1x80xi32, #tpu.memory_space<vmem>>
      %dma_start3A_215 = tpu.memref_squeeze %dma_start3A_214 : memref<1x80xi32, #tpu.memory_space<vmem>> -> memref<80xi32, #tpu.memory_space<vmem>>
      %dma_start3A_216 = arith.constant 0 : i32
      %dma_start3A_217 = arith.constant 0 : i32
      %dma_start3A_218 = tpu.memref_slice %arg9[%dma_start3A_216, %dma_start3A_217] : memref<10240x128xf32, #tpu.memory_space<vmem_shared>> -> memref<10240x128xf32, #tpu.memory_space<vmem_shared>>
      tpu.enqueue_indirect_dma source(%arg12 : memref<80x128xf32, #tpu.memory_space<vmem>>) target(%dma_start3A_218 : memref<10240x128xf32, #tpu.memory_space<vmem_shared>>) offsets(%dma_start3A_215 : memref<80xi32, #tpu.memory_space<vmem>>) semaphore(%arg14 : memref<!tpu.dma_semaphore, #tpu.memory_space<semaphore_mem>>) {add = true}
      %dma_wait3A_219 = arith.constant 12 : i32
      %dma_wait3A_220 = arith.constant 0 : i32
      %dma_wait3A_221 = tpu.memref_slice %arg11[%dma_wait3A_219, %dma_wait3A_220] : memref<16x80xi32, #tpu.memory_space<vmem>> -> memref<1x80xi32, #tpu.memory_space<vmem>>
      %dma_wait3A_222 = tpu.memref_squeeze %dma_wait3A_221 : memref<1x80xi32, #tpu.memory_space<vmem>> -> memref<80xi32, #tpu.memory_space<vmem>>
      %dma_wait3A_223 = arith.constant 0 : i32
      %dma_wait3A_224 = arith.constant 0 : i32
      %dma_wait3A_225 = tpu.memref_slice %arg9[%dma_wait3A_223, %dma_wait3A_224] : memref<10240x128xf32, #tpu.memory_space<vmem_shared>> -> memref<10240x128xf32, #tpu.memory_space<vmem_shared>>
      tpu.wait_indirect_dma semaphore(%arg14 : memref<!tpu.dma_semaphore, #tpu.memory_space<semaphore_mem>>) src(%arg12 : memref<80x128xf32, #tpu.memory_space<vmem>>) dst(%dma_wait3A_225 : memref<10240x128xf32, #tpu.memory_space<vmem_shared>>)
      %dma_wait3A_226 = arith.constant 13 : i32
      %dma_wait3A_227 = arith.constant 0 : i32
      %dma_wait3A_228 = tpu.memref_slice %arg11[%dma_wait3A_226, %dma_wait3A_227] : memref<16x80xi32, #tpu.memory_space<vmem>> -> memref<1x80xi32, #tpu.memory_space<vmem>>
      %dma_wait3A_229 = tpu.memref_squeeze %dma_wait3A_228 : memref<1x80xi32, #tpu.memory_space<vmem>> -> memref<80xi32, #tpu.memory_space<vmem>>
      %dma_wait3A_230 = arith.constant 0 : i32
      %dma_wait3A_231 = arith.constant 0 : i32
      %dma_wait3A_232 = tpu.memref_slice %arg9[%dma_wait3A_230, %dma_wait3A_231] : memref<10240x128xf32, #tpu.memory_space<vmem_shared>> -> memref<10240x128xf32, #tpu.memory_space<vmem_shared>>
      tpu.wait_indirect_dma semaphore(%arg14 : memref<!tpu.dma_semaphore, #tpu.memory_space<semaphore_mem>>) src(%arg12 : memref<80x128xf32, #tpu.memory_space<vmem>>) dst(%dma_wait3A_232 : memref<10240x128xf32, #tpu.memory_space<vmem_shared>>)
      %dma_wait3A_233 = arith.constant 14 : i32
      %dma_wait3A_234 = arith.constant 0 : i32
      %dma_wait3A_235 = tpu.memref_slice %arg11[%dma_wait3A_233, %dma_wait3A_234] : memref<16x80xi32, #tpu.memory_space<vmem>> -> memref<1x80xi32, #tpu.memory_space<vmem>>
      %dma_wait3A_236 = tpu.memref_squeeze %dma_wait3A_235 : memref<1x80xi32, #tpu.memory_space<vmem>> -> memref<80xi32, #tpu.memory_space<vmem>>
      %dma_wait3A_237 = arith.constant 0 : i32
      %dma_wait3A_238 = arith.constant 0 : i32
      %dma_wait3A_239 = tpu.memref_slice %arg9[%dma_wait3A_237, %dma_wait3A_238] : memref<10240x128xf32, #tpu.memory_space<vmem_shared>> -> memref<10240x128xf32, #tpu.memory_space<vmem_shared>>
      tpu.wait_indirect_dma semaphore(%arg14 : memref<!tpu.dma_semaphore, #tpu.memory_space<semaphore_mem>>) src(%arg12 : memref<80x128xf32, #tpu.memory_space<vmem>>) dst(%dma_wait3A_239 : memref<10240x128xf32, #tpu.memory_space<vmem_shared>>)
      %dma_wait3A_240 = arith.constant 15 : i32
      %dma_wait3A_241 = arith.constant 0 : i32
      %dma_wait3A_242 = tpu.memref_slice %arg11[%dma_wait3A_240, %dma_wait3A_241] : memref<16x80xi32, #tpu.memory_space<vmem>> -> memref<1x80xi32, #tpu.memory_space<vmem>>
      %dma_wait3A_243 = tpu.memref_squeeze %dma_wait3A_242 : memref<1x80xi32, #tpu.memory_space<vmem>> -> memref<80xi32, #tpu.memory_space<vmem>>
      %dma_wait3A_244 = arith.constant 0 : i32
      %dma_wait3A_245 = arith.constant 0 : i32
      %dma_wait3A_246 = tpu.memref_slice %arg9[%dma_wait3A_244, %dma_wait3A_245] : memref<10240x128xf32, #tpu.memory_space<vmem_shared>> -> memref<10240x128xf32, #tpu.memory_space<vmem_shared>>
      tpu.wait_indirect_dma semaphore(%arg14 : memref<!tpu.dma_semaphore, #tpu.memory_space<semaphore_mem>>) src(%arg12 : memref<80x128xf32, #tpu.memory_space<vmem>>) dst(%dma_wait3A_246 : memref<10240x128xf32, #tpu.memory_space<vmem_shared>>)
    }
    %scan3A_18 = arith.constant 16 : i32
    %barrier3A_19 = arith.constant 0 : index
    tpu.barrier barrier_id(%barrier3A_19)
    "tpu.region"() ({
      %run_scoped3A = tpu.sem_alloc : memref<!tpu.dma_semaphore, #tpu.memory_space<semaphore_mem>>
      %dma_start3A = arith.constant 0 : i32
      %dma_start3A_20 = tpu.memref_slice %arg8[%arg0, %multiple_of3A, %dma_start3A] : memref<2x10240x128xf32, #tpu.memory_space<hbm>> -> memref<1x640x128xf32, #tpu.memory_space<hbm>>
      %dma_start3A_21 = tpu.memref_squeeze %dma_start3A_20 : memref<1x640x128xf32, #tpu.memory_space<hbm>> -> memref<640x128xf32, #tpu.memory_space<hbm>>
      %dma_start3A_22 = arith.constant 0 : i32
      %dma_start3A_23 = tpu.memref_slice %arg9[%multiple_of3A, %dma_start3A_22] : memref<10240x128xf32, #tpu.memory_space<vmem_shared>> -> memref<640x128xf32, #tpu.memory_space<vmem_shared>>
      tpu.enqueue_dma source(%dma_start3A_23 : memref<640x128xf32, #tpu.memory_space<vmem_shared>>) target(%dma_start3A_21 : memref<640x128xf32, #tpu.memory_space<hbm>>) target_semaphore(%run_scoped3A : memref<!tpu.dma_semaphore, #tpu.memory_space<semaphore_mem>>)
      %dma_wait3A = arith.constant 0 : i32
      %dma_wait3A_24 = tpu.memref_slice %arg8[%arg0, %multiple_of3A, %dma_wait3A] : memref<2x10240x128xf32, #tpu.memory_space<hbm>> -> memref<1x640x128xf32, #tpu.memory_space<hbm>>
      %dma_wait3A_25 = tpu.memref_squeeze %dma_wait3A_24 : memref<1x640x128xf32, #tpu.memory_space<hbm>> -> memref<640x128xf32, #tpu.memory_space<hbm>>
      %dma_wait3A_26 = arith.constant 0 : i32
      %dma_wait3A_27 = tpu.memref_slice %arg9[%multiple_of3A, %dma_wait3A_26] : memref<10240x128xf32, #tpu.memory_space<vmem_shared>> -> memref<640x128xf32, #tpu.memory_space<vmem_shared>>
      tpu.wait_dma2 semaphore(%run_scoped3A : memref<!tpu.dma_semaphore, #tpu.memory_space<semaphore_mem>>) src(%dma_wait3A_27 : memref<640x128xf32, #tpu.memory_space<vmem_shared>>) dst(%dma_wait3A_25 : memref<640x128xf32, #tpu.memory_space<hbm>>)
      tpu.yield
    }) : () -> ()
    return
  }
}

module attributes {stable_mosaic.version = 14 : i64} {
  func.func @_combine_body(%arg0: i32, %arg1: memref<1000x128xf32, #tpu.memory_space<vmem>>, %arg2: memref<1000x1xi32, #tpu.memory_space<vmem>>, %arg3: memref<1000x128xf32, #tpu.memory_space<vmem>>, %arg4: memref<1000x128xf32, #tpu.memory_space<vmem>>, %arg5: memref<1000x128xf32, #tpu.memory_space<vmem>>, %arg6: memref<1000x128xf32, #tpu.memory_space<vmem>>, %arg7: memref<1000x128xf32, #tpu.memory_space<vmem>>) attributes {dimension_semantics = [#tpu.dimension_semantics<arbitrary>], iteration_bounds = array<i64: 10>, scalar_prefetch = 0 : i64, scratch_operands = 0 : i64, tpu.core_type = #tpu.core_type<tc>, window_params = [{transform_indices = @transform_0, window_bounds = array<i64: 1000, 128>}, {transform_indices = @transform_1, window_bounds = array<i64: 1000, 1>}, {transform_indices = @transform_2, window_bounds = array<i64: 1000, 128>}, {transform_indices = @transform_3, window_bounds = array<i64: 1000, 128>}, {transform_indices = @transform_4, window_bounds = array<i64: 1000, 128>}, {transform_indices = @transform_5, window_bounds = array<i64: 1000, 128>}, {transform_indices = @transform_6, window_bounds = array<i64: 1000, 128>}]} {
    %get3A = arith.constant 0 : index
    %get3A_0 = arith.constant 0 : index
    %get3A_1 = vector.load %arg4[%get3A, %get3A_0] : memref<1000x128xf32, #tpu.memory_space<vmem>>, vector<1000x1xf32>
    %max3A = arith.constant 1.000000e+00 : f32
    %max3A_2 = vector.broadcast %max3A : f32 to vector<1000x1xf32>
    %max3A_3 = arith.maximumf %get3A_1, %max3A_2 : vector<1000x1xf32>
    %get3A_4 = arith.constant 0 : index
    %get3A_5 = arith.constant 0 : index
    %get3A_6 = vector.load %arg6[%get3A_4, %get3A_5] : memref<1000x128xf32, #tpu.memory_space<vmem>>, vector<1000x1xf32>
    %max3A_7 = arith.constant 1.000000e+00 : f32
    %max3A_8 = vector.broadcast %max3A_7 : f32 to vector<1000x1xf32>
    %max3A_9 = arith.maximumf %get3A_6, %max3A_8 : vector<1000x1xf32>
    %get3A_10 = arith.constant 0 : index
    %get3A_11 = arith.constant 0 : index
    %get3A_12 = vector.load %arg3[%get3A_10, %get3A_11] : memref<1000x128xf32, #tpu.memory_space<vmem>>, vector<1000x128xf32>
    %div3A = vector.broadcast %max3A_3 : vector<1000x1xf32> to vector<1000x128xf32>
    %div3A_13 = arith.divf %get3A_12, %div3A : vector<1000x128xf32>
    %get3A_14 = arith.constant 0 : index
    %get3A_15 = arith.constant 0 : index
    %get3A_16 = vector.load %arg5[%get3A_14, %get3A_15] : memref<1000x128xf32, #tpu.memory_space<vmem>>, vector<1000x128xf32>
    %div3A_17 = vector.broadcast %max3A_9 : vector<1000x1xf32> to vector<1000x128xf32>
    %div3A_18 = arith.divf %get3A_16, %div3A_17 : vector<1000x128xf32>
    %add3A = arith.addf %div3A_13, %div3A_18 : vector<1000x128xf32>
    %mul3A = arith.constant 5.000000e-01 : f32
    %mul3A_19 = vector.broadcast %mul3A : f32 to vector<1000x128xf32>
    %mul3A_20 = arith.mulf %add3A, %mul3A_19 : vector<1000x128xf32>
    %get3A_21 = arith.constant 0 : index
    %get3A_22 = arith.constant 0 : index
    %get3A_23 = vector.load %arg2[%get3A_21, %get3A_22] : memref<1000x1xi32, #tpu.memory_space<vmem>>, vector<1000x1xi32>
    %gt3A = arith.constant 0 : i32
    %gt3A_24 = vector.broadcast %gt3A : i32 to vector<1000x1xi32>
    %gt3A_25 = arith.cmpi sgt, %get3A_23, %gt3A_24 : vector<1000x1xi32>
    %get3A_26 = arith.constant 0 : index
    %get3A_27 = arith.constant 0 : index
    %get3A_28 = vector.load %arg1[%get3A_26, %get3A_27] : memref<1000x128xf32, #tpu.memory_space<vmem>>, vector<1000x128xf32>
    %broadcast_in_dim3A = vector.shape_cast %gt3A_25 : vector<1000x1xi1> to vector<1000x1xi1>
    %broadcast_in_dim3A_29 = vector.broadcast %broadcast_in_dim3A : vector<1000x1xi1> to vector<1000x128xi1>
    %select_n3A = arith.select %broadcast_in_dim3A_29, %mul3A_20, %get3A_28 : vector<1000x128xi1>, vector<1000x128xf32>
    %swap3A = arith.constant 0 : index
    %swap3A_30 = arith.constant 0 : index
    %swap3A_31 = vector.load %arg7[%swap3A, %swap3A_30] : memref<1000x128xf32, #tpu.memory_space<vmem>>, vector<1000x128xf32>
    tpu.vector_store %arg7[%swap3A, %swap3A_30], %select_n3A {strides = array<i32>} : memref<1000x128xf32, #tpu.memory_space<vmem>>, vector<1000x128xf32>,
    return
  }
  func.func @transform_0(%arg0: i32) -> (i32, i32) {
    %c0_i32 = arith.constant 0 : i32
    %c0_i32_0 = arith.constant 0 : i32
    return %arg0, %c0_i32 : i32, i32
  }
  func.func @transform_1(%arg0: i32) -> (i32, i32) {
    %c0_i32 = arith.constant 0 : i32
    %c0_i32_0 = arith.constant 0 : i32
    return %arg0, %c0_i32 : i32, i32
  }
  func.func @transform_2(%arg0: i32) -> (i32, i32) {
    %c0_i32 = arith.constant 0 : i32
    %c0_i32_0 = arith.constant 0 : i32
    return %arg0, %c0_i32 : i32, i32
  }
  func.func @transform_3(%arg0: i32) -> (i32, i32) {
    %c0_i32 = arith.constant 0 : i32
    %c0_i32_0 = arith.constant 0 : i32
    return %arg0, %c0_i32 : i32, i32
  }
  func.func @transform_4(%arg0: i32) -> (i32, i32) {
    %c0_i32 = arith.constant 0 : i32
    %c0_i32_0 = arith.constant 0 : i32
    return %arg0, %c0_i32 : i32, i32
  }
  func.func @transform_5(%arg0: i32) -> (i32, i32) {
    %c0_i32 = arith.constant 0 : i32
    %c0_i32_0 = arith.constant 0 : i32
    return %arg0, %c0_i32 : i32, i32
  }
  func.func @transform_6(%arg0: i32) -> (i32, i32) {
    %c0_i32 = arith.constant 0 : i32
    %c0_i32_0 = arith.constant 0 : i32
    return %arg0, %c0_i32 : i32, i32
  }
}

</mosaic_0001>

<sc_bundles>
// kernel: kernel.4.cloned.1.call-start
scs
__scs_entry_jumppad:
0x0: {  	(pc) =	sbr.rel $0x88, $3  }
0x1: {  	(tag) =	ssettag $0x0;
	lr =	simm.s32 $0x1  }
0x2: {  	[smem:$0x3F9D] =	sst lr;
	_ =	strace $0xD0000000  }
0x3: {  	_ = 	snop  }
0x4: {  	_ = 	snop  }
0x5: {  	_ = 	snop  }
0x6: {  	_ = 	snop  }
0x7: {  	_ = 	snop  }
__scs_overlays_trampoline_lowered:
0x8: {  	[smem:$0x3FAC] =	sst s0  }
0x9: {  	[smem:$0x3FAD] =	sst s1  }
0xa: {  	[smem:$0x3FAE] =	sst s2  }
0xb: {  	[smem:$0x3FAF] =	sst s3  }
0xc: {  	[smem:$0x3FB0] =	sst s4  }
0xd: {  	[smem:$0x3FB1] =	sst s5  }
0xe: {  	[smem:$0x3FB2] =	sst s6  }
0xf: {  	[smem:$0x3FB3] =	sst s7  }
0x10: {  	[smem:$0x3FB4] =	sst s8  }
0x11: {  	[smem:$0x3FB5] =	sst s9;
	s0 =	simm.s32 @!p0 $0x0  }
0x12: {  	s1 =	sld [smem:$0x3F9B];
	s0 =	simm.s32 @p0 $0x1  }
0x13: {  	[smem:$0x3FB6] =	sst s0;
	s0 =	simm.s32 @!p1 $0x0  }
0x14: {  	s2 =	sld [smem:$0x3F9A];
	s0 =	simm.s32 @p1 $0x1  }
0x15: {  	[smem:$0x3FB7] =	sst s0;
	s0 =	simm.s32 @!p2 $0x0  }
0x16: {  	s3 =	sld [smem:$0x3FDB];
	s0 =	simm.s32 @p2 $0x1  }
0x17: {  	s4 =	simm.s32 $0x1BF5;
	[smem:$0x3FB9] =	sst s0  }
0x18: {  	s0 =	sld [smem:$0x3F9C];
	_ =	swait.ge [sflag:s4], $0x0  }
0x19: {  	s7 =	sld [smem:$0x3F9D]  }
0x1a: {  	s8 =	sadd.s32 $0xFFFFE003, lr  }
0x1b: {  	s9 =	sadd.s32 $0xFFFFFEF7, lr;
	s5 =	simm.s32 $0xFFFFFFFF;
	p2 =	slt.u32 s8, $0xFFFFF086  }
0x1c: {  	p1 =	slt.u32 s9, $0xF7A;
	s5 =	simm.s32 @!p2 $0x0  }
0x1d: {  	s5 =	simm.s32 @p1 $0x1;
	p0 =	seq.s32 s7, s2  }
0x1e: {  	s7 =	smul.u32 @!p0 $0xF7A, s2;
	p2 =	seq.s32 @!p0 s5, $0x0  }
0x1f: {  	s9 =	smul.u32 $0xF7A, s1;
	s8 =	simm.s32 @!p0 $0x1BF5;
	p2 =	por !p2, p0  }
0x20: {  	[sflag:s8] =	ssyncset.s32 @!p0 $0xFFFFF086;
	s6 =	sadd.s32 @!p0 s3, s7;
	s7 =	simm.s32 @!p0 $0x108  }
0x21: {  	s3 =	sadd.s32 s3, s9;
	s6 =	sadd.s32 @!p0 $0x88, s6;
	s7 =	simm.s32 @p2 $0x1082  }
0x22: {  	[simem:s7], [sflag:s8] =	dma.local @!p0 [hbm:s6], $0xF7A  }
0x23: {  	s9 =	sor.u32 $0xD0000000, s2;
	s6 =	simm.s32 $0x108;
	_ =	swait.ge @!p0 [sflag:s8], $0x0  }
0x24: {  	s3 =	sadd.s32 $0x88, s3;
	s6 =	simm.s32 @!p1 $0x1082;
	[sflag:s4] =	ssyncset.s32 $0xFFFFF086  }
0x25: {  	[simem:s6], [sflag:s4] =	dma.local [hbm:s3], $0xF7A  }
0x26: {  	[smem:$0x3F9D] =	sst s1;
	(tag) =	ssettag s2;
	_ =	strace s9  }
0x27: {  	s1 =	sld [smem:$0x3FAD]  }
0x28: {  	s2 =	sld [smem:$0x3FAE]  }
0x29: {  	s4 =	sld [smem:$0x3FB0]  }
0x2a: {  	p0 =	seq.s32 s5, $0x0;
	s5 =	sld [smem:$0x3FB1]  }
0x2b: {  	s6 =	sld [smem:$0x3FB2]  }
0x2c: {  	s7 =	sld [smem:$0x3FB3]  }
0x2d: {  	s3 =	simm.s32 $0x108;
	s8 =	sld [smem:$0x3FB4]  }
0x2e: {  	s3 =	simm.s32 @!p0 $0x1082;
	s9 =	sld [smem:$0x3FB5]  }
0x2f: {  	lr =	sadd.s32 s0, s3;
	s0 =	sld [smem:$0x3FAC]  }
0x30: {  	s3 =	sld [smem:$0x3FAF]  }
0x31: {  	[smem:$0x3FB8] =	sst s10  }
0x32: {  	s10 =	sld [smem:$0x3FB6];
	_ =	sdelay $0x3  }
0x33: {  	p0 =	seq.s32 s10, $0x1;
	s10 =	sld [smem:$0x3FB8];
	_ =	sdelay $0x3  }
0x34: {  	[smem:$0x3FB8] =	sst s10  }
0x35: {  	s10 =	sld [smem:$0x3FB7];
	_ =	sdelay $0x3  }
0x36: {  	p1 =	seq.s32 s10, $0x1;
	s10 =	sld [smem:$0x3FB8];
	_ =	sdelay $0x3  }
0x37: {  	[smem:$0x3FB8] =	sst s10  }
0x38: {  	s10 =	sld [smem:$0x3FB9]  }
0x39: {  	_ = 	snop;
	(pc) =	sbr.ind lr, $3  }
0x3a: {  	_ = 	snop  }
0x3b: {  	_ = 	snop  }
0x3c: {  	p2 =	seq.s32 s10, $0x1;
	s10 =	sld [smem:$0x3FB8]  }
0x3d: {  	_ =	shalt  }
0x3e: {  	_ =	shalt  }
0x3f: {  	_ =	shalt  }
0x40: {  	_ =	shalt  }
0x41: {  	_ =	shalt  }
0x42: {  	_ =	shalt  }
0x43: {  	_ =	shalt  }
0x44: {  	_ =	shalt  }
0x45: {  	_ =	shalt  }
0x46: {  	_ =	shalt  }
0x47: {  	_ =	shalt  }
0x48: {  	_ =	shalt  }
0x49: {  	_ =	shalt  }
0x4a: {  	_ =	shalt  }
0x4b: {  	_ =	shalt  }
0x4c: {  	_ =	shalt  }
0x4d: {  	_ =	shalt  }
0x4e: {  	_ =	shalt  }
0x4f: {  	_ =	shalt  }
0x50: {  	_ =	shalt  }
0x51: {  	_ =	shalt  }
0x52: {  	_ =	shalt  }
0x53: {  	_ =	shalt  }
0x54: {  	_ =	shalt  }
0x55: {  	_ =	shalt  }
0x56: {  	_ =	shalt  }
0x57: {  	_ =	shalt  }
0x58: {  	_ =	shalt  }
0x59: {  	_ =	shalt  }
0x5a: {  	_ =	shalt  }
0x5b: {  	_ =	shalt  }
0x5c: {  	_ =	shalt  }
0x5d: {  	_ =	shalt  }
0x5e: {  	_ =	shalt  }
0x5f: {  	_ =	shalt  }
0x60: {  	_ =	shalt  }
0x61: {  	_ =	shalt  }
0x62: {  	_ =	shalt  }
0x63: {  	_ =	shalt  }
0x64: {  	_ =	shalt  }
0x65: {  	_ =	shalt  }
0x66: {  	_ =	shalt  }
0x67: {  	_ =	shalt  }
0x68: {  	_ =	shalt  }
0x69: {  	_ =	shalt  }
0x6a: {  	_ =	shalt  }
0x6b: {  	_ =	shalt  }
0x6c: {  	_ =	shalt  }
0x6d: {  	_ =	shalt  }
0x6e: {  	_ =	shalt  }
0x6f: {  	_ =	shalt  }
0x70: {  	_ =	shalt  }
0x71: {  	_ =	shalt  }
0x72: {  	_ =	shalt  }
0x73: {  	_ =	shalt  }
0x74: {  	_ =	shalt  }
0x75: {  	_ =	shalt  }
0x76: {  	_ =	shalt  }
0x77: {  	_ =	shalt  }
0x78: {  	_ =	shalt  }
0x79: {  	_ =	shalt  }
0x7a: {  	_ =	shalt  }
0x7b: {  	_ =	shalt  }
0x7c: {  	_ =	shalt  }
0x7d: {  	_ =	shalt  }
0x7e: {  	_ =	shalt  }
0x7f: {  	_ =	shalt  }
0x80: {  	_ =	shalt  }
0x81: {  	_ =	shalt  }
0x82: {  	_ =	shalt  }
0x83: {  	_ =	shalt  }
0x84: {  	_ =	shalt  }
0x85: {  	_ =	shalt  }
0x86: {  	_ =	shalt  }
0x87: {  	_ =	shalt  }
.Lfunc_end0:
.L_simem_size_0:
called_computation_lowered:
.L_overlay_start_0:
0x88: {  	s2 =	sld [smem:$0x3FD9]  }
0x89: {  	s3 =	sld [smem:$0x3FFE];
	_ =	sdelay $0x1  }
0x8a: {  	s1 =	srdreg.scid  }
0x8b: {  	s0 =	sand.u32 $0x1, s1  }
0x8c: {  	s17 =	sshll.u32 s0, $0xA;
	s2 =	sadd.s32 s3, s2  }
0x8d: {  	s2 =	sadd.s32 s2, s17  }
0x8e: {  	[smem:$0x3FC4] =	sst s2  }
0x8f: {  	_ = 	snop  }
0x90: {  	s2 =	sld [smem:$0x3FC9]  }
0x91: {  	s18 =	sld [smem:$0x3FD0];
	(tm) =	ssettm $0x1  }
0x92: {  	s4 =	sld [smem:$0x3FFB];
	_ =	sdelay $0x3  }
0x93: {  	_ =	strace s4  }
0x94: {  	s4 =	sld [smem:$0x3FFC];
	_ =	sdelay $0x3  }
0x95: {  	_ =	strace s4  }
0x96: {  	s4 =	sld [smem:$0x3FFD];
	_ =	sdelay $0x3  }
0x97: {  	_ =	strace s4  }
0x98: {  	_ =	strace $0x8FFFFFFF  }
0x99: {  	s19 =	sld [smem:$0x3FDB];
	_ =	sdelay $0x1  }
0x9a: {  	s5 =	simm.s32 $_scs_section_size  }
0x9b: {  	s6 =	simm.s32 $_size__tile_overlayer_lowered;
	s7 =	simm.s32 $_tile_overlayer_lowered  }
0x9c: {  	s22 =	simm.s32 $0x1BFF;
	s21 =	sshll.u32 s7, $0x1;
	s4 =	sadd.s32 s5, s19  }
0x9d: {  	s8 =	simm.s32 $0x0;
	s20 =	sshll.u32 s6, $0x1;
	s6 =	sadd.s32 s21, s4  }
0x9e: {  	[timem:s8], [sflag:s22] =	dma.local [hbm:s6], s20  }
0x9f: {  	_ =	swait.ge [sflag:s22], s20  }
0xa0: {  	s5 =	ssub.s32 $0x0, s20;
	[sflag:s22] =	ssyncset.done $0x0  }
0xa1: {  	[sflag:s22] =	ssyncadd.s32 s5;
	_ =	sdelay $0x1  }
0xa2: {  	s23 =	simm.s32 $0x1B8B  }
0xa3: {  	_ =	swait.ge [sflag:s23], $0x1  }
0xa4: {  	[sflag:s23] =	ssyncset.done $0x0  }
0xa5: {  	s25 =	simm.s32 $0x1B8E;
	s24 =	sld [smem:$0x3FFE];
	[sflag:s23] =	ssyncadd.s32 $0xFFFFFFFF  }
0xa6: {  	s26 =	simm.s32 $execute0_lowered;
	[smem:$0x3FD2] =	sst s25  }
0xa7: {  	s6 =	sshll.u32 s26, $0x1;
	_ =	strace $0x80000046;
	[dreg:$0x1] =	wrdreg $0xFFFFFFFF  }
0xa8: {  	s28 =	simm.s32 $_size_execute0_lowered;
	s4 =	sadd.s32 s4, s6;
	[dreg:$0x0] =	wrdreg $0x0  }
0xa9: {  	s6 =	sshll.u32 s28, $0x1;
	[dreg:$0x2] =	wrdreg s4  }
0xaa: {  	[dreg:$0x3] =	wrdreg s6  }
0xab: {  	[dreg:$0x4] =	wrdreg $0xC0  }
0xac: {  	_ =	task [dreg:s8], $0x5FFFF  }
0xad: {  	[dreg:$0x1] =	wrdreg $0xFFFFFFFF  }
0xae: {  	[dreg:$0x0] =	wrdreg $0x60  }
0xaf: {  	[dreg:$0x2] =	wrdreg s18  }
0xb0: {  	[dreg:$0x3] =	wrdreg s24  }
0xb1: {  	[dreg:$0x4] =	wrdreg s2  }
0xb2: {  	[dreg:$0x5] =	wrdreg $0x0  }
0xb3: {  	[dreg:$0x6] =	wrdreg $0x9  }
0xb4: {  	_ =	task.clear_ibuf [dreg:s8], $0x7FFFF;
	_ =	strace $0x90000046  }
0xb5: {  	s29 =	simm.s32 $0x9;
	_ =	strace $0x80000048  }
0xb6: {  	_ =	swait.ge [sflag:s29], $0x1  }
0xb7: {  	[sflag:s29] =	ssyncadd.s32 $0xFFFFFFFF  }
0xb8: {  	_ =	strace $0x90000048  }
0xb9: {  	_ =	sfence  }
0xba: {  	s30 =	sld [smem:$0x0];
	_ =	sdelay $0x2  }
0xbb: {  	s31 =	sshll.u32 s1, $0xD;
	s1 =	sshrl.u32 s1, $0x2  }
0xbc: {  	s3 =	sand.u32 $0x4000, s31;
	s1 =	sadd.s32 s1, s30  }
0xbd: {  	s0 =	sor.u32 s3, s0;
	s1 =	sshll.u32 s1, $0x11  }
0xbe: {  	s0 =	sor.u32 s1, s0  }
0xbf: {  	s0 =	sadd.s32 $0x8F2B, s0  }
0xc0: {  	[sflag:s0] =	ssyncadd.remote.s32 $0x1  }
0xc1: {  	_ =	sfence.sel $0xFFFF  }
0xc2: {  	[dreg:$0x0] =	wrdreg $0xFFFFFFFF;
	(pc) =	sbr.abs _section_cstart, $3  }
0xc3: {  	[dreg:$0x1] =	wrdreg $0xFFFFFFFF  }
0xc4: {  	_ =	task.clear_ibuf [dreg:s8], $0x2FFFF;
	_ =	strace $0x9FFFFFFF  }
0xc5: {  	(tm) =	ssettm $0x7FFFFFFF  }
tec
execute0_lowered:
.L_overlay_start_1:
0x0: {  	(tag) =	ssettag $0x1  }
0x1: {  	s0 =	rddreg [dreg:$0x0]  }
0x2: {  	s3 =	rddreg [dreg:$0x1]  }
0x3: {  	s1 =	rddreg [dreg:$0x2]  }
0x4: {  	s2 =	rddreg [dreg:$0x3]  }
0x5: {  	s4 =	srdreg.scid;
	s11 =	stileid.u32;
	s13 =	simm.s32 $0x14100  }
0x6: {  	s14 =	simm.s32 $0x14180;
	s15 =	simm.s32 $0x14200;
	s16 =	simm.s32 $0x14280  }
0x7: {  	s17 =	simm.s32 $0x14300;
	s18 =	simm.s32 $0x14380;
	s19 =	simm.s32 $0x14400  }
0x8: {  	s20 =	simm.s32 $0x14480;
	s28 =	simm.s32 $0x14B00;
	s29 =	simm.s32 $0x14B80  }
0x9: {  	s30 =	simm.s32 $0x14C00;
	s31 =	simm.s32 $0x14C80;
	s5 =	sand.u32 $0x1, s4  }
0xa: {  	s4 =	simm.s32 $0x0;
	s8 =	smul.u32 $0x14000, s11;
	s10 =	sadd.s32 $0x20A00, s3  }
0xb: {  	s22 =	smul.u32 $0x50000, s11;
	s12 =	sadd.s32 $0x23200, s3;
	[smem:$0x7FF] =	sst s4  }
0xc: {  	s23 =	sshll.u32 s11, $0xC;
	_ =	strace $0x80000047;
	[dreg:$0x15] =	wrdreg s10  }
0xd: {  	s25 =	sshll.u32 s11, $0x6;
	s6 =	smul.u32 $0x140000, s5;
	[dreg:$0x16] =	wrdreg s12  }
0xe: {  	s7 =	sshll.u32 s5, $0x10;
	s5 =	ssub.s32 $0x2, s5;
	[dreg:$0x7] =	wrdreg s13  }
0xf: {  	s9 =	sadd.s32 s7, s3;
	s21 =	sshrl.u32 s5, $0x1;
	[dreg:$0x8] =	wrdreg s14  }
0x10: {  	s24 =	sshrl.u32 s22, $0x2;
	s12 =	sor.u32 $0x1C04, s25;
	[dreg:$0x9] =	wrdreg s15  }
0x11: {  	s0 =	sadd.s32 s7, s0;
	s10 =	simm.s32 $0x14080;
	[dreg:$0xa] =	wrdreg s16  }
0x12: {  	s13 =	simm.s32 $0x4;
	s14 =	simm.s32 $0x14000;
	[dreg:$0xb] =	wrdreg s17  }
0x13: {  	s15 =	simm.s32 $0x14800;
	s16 =	simm.s32 $0x50;
	[dreg:$0xc] =	wrdreg s18  }
0x14: {  	s17 =	simm.s32 $0x15000;
	[dreg:$0xd] =	wrdreg s19;
	s18 =	simm.s32 $0x17800  }
0x15: {  	[dreg:$0xe] =	wrdreg s20;
	s19 =	simm.s32 $0x1;
	s22 =	simm.s32 $0x14580  }
0x16: {  	s20 =	simm.s32 $0x3;
	s25 =	simm.s32 $0x14700;
	s6 =	sadd.s32 s8, s6  }
0x17: {  	s5 =	ssub.s32 s5, s21;
	s8 =	sadd.s32 s24, s2;
	[dreg:$0x6] =	wrdreg s10  }
0x18: {  	s0 =	sadd.s32 s23, s0;
	s11 =	sadd.s32 s23, s9;
	[dreg:$0x10] =	wrdreg s22  }
0x19: {  	s21 =	simm.s32 $0x14500;
	s23 =	simm.s32 $0x14600;
	[dreg:$0x13] =	wrdreg s25  }
0x1a: {  	s24 =	simm.s32 $0x14680;
	s22 =	simm.s32 $0x14880;
	[dreg:$0x17] =	wrdreg s12  }
0x1b: {  	s25 =	simm.s32 $0x14A00;
	s9 =	simm.s32 $0x14F00;
	[dreg:$0x5] =	wrdreg s0  }
0x1c: {  	s10 =	simm.s32 $0x14F80;
	s6 =	sshrl.u32 s6, $0x3;
	[dreg:$0xf] =	wrdreg s21  }
0x1d: {  	s7 =	smax.u32 s5, $0x1;
	s11 =	sadd.s32 $0xA00, s11;
	[dreg:$0x11] =	wrdreg s23  }
0x1e: {  	s21 =	simm.s32 $0x2;
	[dreg:$0x12] =	wrdreg s24;
	s23 =	simm.s32 $0x14900  }
0x1f: {  	s24 =	simm.s32 $0x14980;
	s5 =	simm.s32 $0x0;
	[dreg:$0x1a] =	wrdreg s7  }
0x20: {  	s3 =	sadd.s32 s6, s3;
	s7 =	sshrl.u32 s8, $0x3;
	[dreg:$0x1c] =	wrdreg s5  }
0x21: {  	s0 =	simm.s32 $0x14D00;
	s26 =	sadd.s32 $0x73800, s3;
	[dreg:$0x1b] =	wrdreg s7  }
0x22: {  	s6 =	simm.s32 $0x14E00;
	s3 =	sadd.s32 $0x23800, s3;
	[dreg:$0x18] =	wrdreg s26  }
0x23: {  	s8 =	simm.s32 $0x14E80;
	[dreg:$0x19] =	wrdreg s3;
	s26 =	simm.s32 $0x14780  }
0x24: {  	s3 =	simm.s32 $0x14D80;
	[dreg:$0x14] =	wrdreg s26;
	s26 =	simm.s32 $0x14A80  }
.LBB2_1:
0x25: {  	s5 =	rddreg [dreg:$0x15]  }
0x26: {  	[spmem:s7], [sflag:s12] =	dma.local [hbm:s5], $0x2800  }
0x27: {  	_ =	swait.ge [sflag:s13], $0x2800  }
0x28: {  	[sflag:s13] =	ssyncset.done $0x0  }
0x29: {  	[sflag:s13] =	ssyncadd.s32 $0xFFFFD800  }
0x2a: {  	[bflag:$0x0] =	sbarrier.arrive $0xFFFF  }
0x2b: {  	s12 =	rddreg [dreg:$0x5]  }
0x2c: {  	s5 =	sadd.s32 $0x0, s12  }
0x2d: {  	[tilespmem:s14], [sflag:$0x4] =	stream.linear.gather [hbm4b:s5+s4], $0x800, $0x38;
	[tilespmem:$0x1A000] =	vst v63  }
0x2e: {  	_ =	swait.ge [sflag:s13], $0x800  }
0x2f: {  	[sflag:s13] =	ssyncset.done $0x0  }
0x30: {  	s7 =	sadd.s32 $0x0, s11;
	[sflag:s13] =	ssyncadd.s32 $0xFFFFF800  }
0x31: {  	[tilespmem:s15], [sflag:$0x4] =	stream.linear.gather [hbm4b:s7+s4], $0x800, $0x38;
	[tilespmem:$0x1A000] =	vst v63  }
0x32: {  	_ =	swait.ge [sflag:s13], $0x800  }
0x33: {  	[sflag:s13] =	ssyncset.done $0x0  }
0x34: {  	[sflag:s13] =	ssyncadd.s32 $0xFFFFF800  }
0x35: {  	[tilespmem:s17], [sflag:$0x1] =	stream.indirect.gather [hbm4b:s1+s16], $0x80, s14, s16, $0xb8;
	[tilespmem:$0x1A000] =	vst v63  }
0x36: {  	s12 =	rddreg [dreg:$0x6]  }
0x37: {  	[tilespmem:s18], [sflag:$0x2] =	stream.indirect.gather [hbm4b:s1+s16], $0x80, s12, s16, $0xb8;
	[tilespmem:$0x1A000] =	vst v63  }
0x38: {  	_ =	swait.ge [sflag:s19], $0x2800  }
0x39: {  	[sflag:s19] =	ssyncset.done $0x0  }
0x3a: {  	[sflag:s19] =	ssyncadd.s32 $0xFFFFD800  }
0x3b: {  	[spmem:s2] =	stream.indirect.scatter.add.f32 [tilespmem:s17], [sflag:$0x3], $0x80, s15, s16, $0xb8;
	[tilespmem:$0x1A000] =	vst v63  }
0x3c: {  	_ =	swait.ge [sflag:s20], $0x2800  }
0x3d: {  	[sflag:s20] =	ssyncset.done $0x0  }
0x3e: {  	s14 =	rddreg [dreg:$0x7];
	[sflag:s20] =	ssyncadd.s32 $0xFFFFD800  }
0x3f: {  	[tilespmem:s17], [sflag:$0x1] =	stream.indirect.gather [hbm4b:s1+s16], $0x80, s14, s16, $0xb8;
	[tilespmem:$0x1A000] =	vst v63  }
0x40: {  	_ =	swait.ge [sflag:s21], $0x2800  }
0x41: {  	[sflag:s21] =	ssyncset.done $0x0  }
0x42: {  	[sflag:s21] =	ssyncadd.s32 $0xFFFFD800  }
0x43: {  	[spmem:s2] =	stream.indirect.scatter.add.f32 [tilespmem:s18], [sflag:$0x3], $0x80, s22, s16, $0xb8;
	[tilespmem:$0x1A000] =	vst v63  }
0x44: {  	_ =	swait.ge [sflag:s20], $0x2800  }
0x45: {  	[sflag:s20] =	ssyncset.done $0x0  }
0x46: {  	s22 =	rddreg [dreg:$0x8];
	[sflag:s20] =	ssyncadd.s32 $0xFFFFD800  }
0x47: {  	[tilespmem:s18], [sflag:$0x2] =	stream.indirect.gather [hbm4b:s1+s16], $0x80, s22, s16, $0xb8;
	[tilespmem:$0x1A000] =	vst v63  }
0x48: {  	_ =	swait.ge [sflag:s19], $0x2800  }
0x49: {  	[sflag:s19] =	ssyncset.done $0x0  }
0x4a: {  	[sflag:s19] =	ssyncadd.s32 $0xFFFFD800  }
0x4b: {  	[spmem:s2] =	stream.indirect.scatter.add.f32 [tilespmem:s17], [sflag:$0x3], $0x80, s23, s16, $0xb8;
	[tilespmem:$0x1A000] =	vst v63  }
0x4c: {  	_ =	swait.ge [sflag:s20], $0x2800  }
0x4d: {  	[sflag:s20] =	ssyncset.done $0x0  }
0x4e: {  	s7 =	rddreg [dreg:$0x9];
	[sflag:s20] =	ssyncadd.s32 $0xFFFFD800  }
0x4f: {  	[tilespmem:s17], [sflag:$0x1] =	stream.indirect.gather [hbm4b:s1+s16], $0x80, s7, s16, $0xb8;
	[tilespmem:$0x1A000] =	vst v63  }
0x50: {  	_ =	swait.ge [sflag:s21], $0x2800  }
0x51: {  	[sflag:s21] =	ssyncset.done $0x0  }
0x52: {  	[sflag:s21] =	ssyncadd.s32 $0xFFFFD800  }
0x53: {  	[spmem:s2] =	stream.indirect.scatter.add.f32 [tilespmem:s18], [sflag:$0x3], $0x80, s24, s16, $0xb8;
	[tilespmem:$0x1A000] =	vst v63  }
0x54: {  	_ =	swait.ge [sflag:s20], $0x2800  }
0x55: {  	[sflag:s20] =	ssyncset.done $0x0  }
0x56: {  	s12 =	rddreg [dreg:$0xa];
	[sflag:s20] =	ssyncadd.s32 $0xFFFFD800  }
0x57: {  	[tilespmem:s18], [sflag:$0x2] =	stream.indirect.gather [hbm4b:s1+s16], $0x80, s12, s16, $0xb8;
	[tilespmem:$0x1A000] =	vst v63  }
0x58: {  	_ =	swait.ge [sflag:s19], $0x2800  }
0x59: {  	[sflag:s19] =	ssyncset.done $0x0  }
0x5a: {  	[sflag:s19] =	ssyncadd.s32 $0xFFFFD800  }
0x5b: {  	[spmem:s2] =	stream.indirect.scatter.add.f32 [tilespmem:s17], [sflag:$0x3], $0x80, s25, s16, $0xb8;
	[tilespmem:$0x1A000] =	vst v63  }
0x5c: {  	_ =	swait.ge [sflag:s20], $0x2800  }
0x5d: {  	[sflag:s20] =	ssyncset.done $0x0  }
0x5e: {  	s14 =	rddreg [dreg:$0xb];
	[sflag:s20] =	ssyncadd.s32 $0xFFFFD800  }
0x5f: {  	[tilespmem:s17], [sflag:$0x1] =	stream.indirect.gather [hbm4b:s1+s16], $0x80, s14, s16, $0xb8;
	[tilespmem:$0x1A000] =	vst v63  }
0x60: {  	_ =	swait.ge [sflag:s21], $0x2800  }
0x61: {  	[sflag:s21] =	ssyncset.done $0x0  }
0x62: {  	[sflag:s21] =	ssyncadd.s32 $0xFFFFD800  }
0x63: {  	[spmem:s2] =	stream.indirect.scatter.add.f32 [tilespmem:s18], [sflag:$0x3], $0x80, s26, s16, $0xb8;
	[tilespmem:$0x1A000] =	vst v63  }
0x64: {  	_ =	swait.ge [sflag:s20], $0x2800  }
0x65: {  	[sflag:s20] =	ssyncset.done $0x0  }
0x66: {  	s22 =	rddreg [dreg:$0xc];
	[sflag:s20] =	ssyncadd.s32 $0xFFFFD800  }
0x67: {  	[tilespmem:s18], [sflag:$0x2] =	stream.indirect.gather [hbm4b:s1+s16], $0x80, s22, s16, $0xb8;
	[tilespmem:$0x1A000] =	vst v63  }
0x68: {  	_ =	swait.ge [sflag:s19], $0x2800  }
0x69: {  	[sflag:s19] =	ssyncset.done $0x0  }
0x6a: {  	[sflag:s19] =	ssyncadd.s32 $0xFFFFD800  }
0x6b: {  	[spmem:s2] =	stream.indirect.scatter.add.f32 [tilespmem:s17], [sflag:$0x3], $0x80, s28, s16, $0xb8;
	[tilespmem:$0x1A000] =	vst v63  }
0x6c: {  	_ =	swait.ge [sflag:s20], $0x2800  }
0x6d: {  	[sflag:s20] =	ssyncset.done $0x0  }
0x6e: {  	s7 =	rddreg [dreg:$0xd];
	[sflag:s20] =	ssyncadd.s32 $0xFFFFD800  }
0x6f: {  	[tilespmem:s17], [sflag:$0x1] =	stream.indirect.gather [hbm4b:s1+s16], $0x80, s7, s16, $0xb8;
	[tilespmem:$0x1A000] =	vst v63  }
0x70: {  	_ =	swait.ge [sflag:s21], $0x2800  }
0x71: {  	[sflag:s21] =	ssyncset.done $0x0  }
0x72: {  	[sflag:s21] =	ssyncadd.s32 $0xFFFFD800  }
0x73: {  	[spmem:s2] =	stream.indirect.scatter.add.f32 [tilespmem:s18], [sflag:$0x3], $0x80, s29, s16, $0xb8;
	[tilespmem:$0x1A000] =	vst v63  }
0x74: {  	_ =	swait.ge [sflag:s20], $0x2800  }
0x75: {  	[sflag:s20] =	ssyncset.done $0x0  }
0x76: {  	s12 =	rddreg [dreg:$0xe];
	[sflag:s20] =	ssyncadd.s32 $0xFFFFD800  }
0x77: {  	[tilespmem:s18], [sflag:$0x2] =	stream.indirect.gather [hbm4b:s1+s16], $0x80, s12, s16, $0xb8;
	[tilespmem:$0x1A000] =	vst v63  }
0x78: {  	_ =	swait.ge [sflag:s19], $0x2800  }
0x79: {  	[sflag:s19] =	ssyncset.done $0x0  }
0x7a: {  	[sflag:s19] =	ssyncadd.s32 $0xFFFFD800  }
0x7b: {  	[spmem:s2] =	stream.indirect.scatter.add.f32 [tilespmem:s17], [sflag:$0x3], $0x80, s30, s16, $0xb8;
	[tilespmem:$0x1A000] =	vst v63  }
0x7c: {  	_ =	swait.ge [sflag:s20], $0x2800  }
0x7d: {  	[sflag:s20] =	ssyncset.done $0x0  }
0x7e: {  	s14 =	rddreg [dreg:$0xf];
	[sflag:s20] =	ssyncadd.s32 $0xFFFFD800  }
0x7f: {  	[tilespmem:s17], [sflag:$0x1] =	stream.indirect.gather [hbm4b:s1+s16], $0x80, s14, s16, $0xb8;
	[tilespmem:$0x1A000] =	vst v63  }
0x80: {  	_ =	swait.ge [sflag:s21], $0x2800  }
0x81: {  	[sflag:s21] =	ssyncset.done $0x0  }
0x82: {  	[sflag:s21] =	ssyncadd.s32 $0xFFFFD800  }
0x83: {  	[spmem:s2] =	stream.indirect.scatter.add.f32 [tilespmem:s18], [sflag:$0x3], $0x80, s31, s16, $0xb8;
	[tilespmem:$0x1A000] =	vst v63  }
0x84: {  	_ =	swait.ge [sflag:s20], $0x2800  }
0x85: {  	[sflag:s20] =	ssyncset.done $0x0  }
0x86: {  	s22 =	rddreg [dreg:$0x10];
	[sflag:s20] =	ssyncadd.s32 $0xFFFFD800  }
0x87: {  	[tilespmem:s18], [sflag:$0x2] =	stream.indirect.gather [hbm4b:s1+s16], $0x80, s22, s16, $0xb8;
	[tilespmem:$0x1A000] =	vst v63  }
0x88: {  	_ =	swait.ge [sflag:s19], $0x2800  }
0x89: {  	[sflag:s19] =	ssyncset.done $0x0  }
0x8a: {  	[sflag:s19] =	ssyncadd.s32 $0xFFFFD800  }
0x8b: {  	[spmem:s2] =	stream.indirect.scatter.add.f32 [tilespmem:s17], [sflag:$0x3], $0x80, s0, s16, $0xb8;
	[tilespmem:$0x1A000] =	vst v63  }
0x8c: {  	_ =	swait.ge [sflag:s20], $0x2800  }
0x8d: {  	[sflag:s20] =	ssyncset.done $0x0  }
0x8e: {  	s7 =	rddreg [dreg:$0x11];
	[sflag:s20] =	ssyncadd.s32 $0xFFFFD800  }
0x8f: {  	[tilespmem:s17], [sflag:$0x1] =	stream.indirect.gather [hbm4b:s1+s16], $0x80, s7, s16, $0xb8;
	[tilespmem:$0x1A000] =	vst v63  }
0x90: {  	_ =	swait.ge [sflag:s21], $0x2800  }
0x91: {  	[sflag:s21] =	ssyncset.done $0x0  }
0x92: {  	[sflag:s21] =	ssyncadd.s32 $0xFFFFD800  }
0x93: {  	[spmem:s2] =	stream.indirect.scatter.add.f32 [tilespmem:s18], [sflag:$0x3], $0x80, s3, s16, $0xb8;
	[tilespmem:$0x1A000] =	vst v63  }
0x94: {  	_ =	swait.ge [sflag:s20], $0x2800  }
0x95: {  	[sflag:s20] =	ssyncset.done $0x0  }
0x96: {  	s12 =	rddreg [dreg:$0x12];
	[sflag:s20] =	ssyncadd.s32 $0xFFFFD800  }
0x97: {  	[tilespmem:s18], [sflag:$0x2] =	stream.indirect.gather [hbm4b:s1+s16], $0x80, s12, s16, $0xb8;
	[tilespmem:$0x1A000] =	vst v63  }
0x98: {  	_ =	swait.ge [sflag:s19], $0x2800  }
0x99: {  	[sflag:s19] =	ssyncset.done $0x0  }
0x9a: {  	[sflag:s19] =	ssyncadd.s32 $0xFFFFD800  }
0x9b: {  	[spmem:s2] =	stream.indirect.scatter.add.f32 [tilespmem:s17], [sflag:$0x3], $0x80, s6, s16, $0xb8;
	[tilespmem:$0x1A000] =	vst v63  }
0x9c: {  	_ =	swait.ge [sflag:s20], $0x2800  }
0x9d: {  	[sflag:s20] =	ssyncset.done $0x0  }
0x9e: {  	s14 =	rddreg [dreg:$0x13];
	[sflag:s20] =	ssyncadd.s32 $0xFFFFD800  }
0x9f: {  	[tilespmem:s17], [sflag:$0x1] =	stream.indirect.gather [hbm4b:s1+s16], $0x80, s14, s16, $0xb8;
	[tilespmem:$0x1A000] =	vst v63  }
0xa0: {  	_ =	swait.ge [sflag:s21], $0x2800  }
0xa1: {  	[sflag:s21] =	ssyncset.done $0x0  }
0xa2: {  	[sflag:s21] =	ssyncadd.s32 $0xFFFFD800  }
0xa3: {  	[spmem:s2] =	stream.indirect.scatter.add.f32 [tilespmem:s18], [sflag:$0x3], $0x80, s8, s16, $0xb8;
	[tilespmem:$0x1A000] =	vst v63  }
0xa4: {  	_ =	swait.ge [sflag:s20], $0x2800  }
0xa5: {  	[sflag:s20] =	ssyncset.done $0x0  }
0xa6: {  	s22 =	rddreg [dreg:$0x14];
	[sflag:s20] =	ssyncadd.s32 $0xFFFFD800  }
0xa7: {  	[tilespmem:s18], [sflag:$0x2] =	stream.indirect.gather [hbm4b:s1+s16], $0x80, s22, s16, $0xb8;
	[tilespmem:$0x1A000] =	vst v63  }
0xa8: {  	_ =	swait.ge [sflag:s19], $0x2800  }
0xa9: {  	[sflag:s19] =	ssyncset.done $0x0  }
0xaa: {  	[sflag:s19] =	ssyncadd.s32 $0xFFFFD800  }
0xab: {  	[spmem:s2] =	stream.indirect.scatter.add.f32 [tilespmem:s17], [sflag:$0x3], $0x80, s9, s16, $0xb8;
	[tilespmem:$0x1A000] =	vst v63  }
0xac: {  	_ =	swait.ge [sflag:s21], $0x2800  }
0xad: {  	[sflag:s21] =	ssyncset.done $0x0  }
0xae: {  	[sflag:s21] =	ssyncadd.s32 $0xFFFFD800  }
0xaf: {  	[spmem:s2] =	stream.indirect.scatter.add.f32 [tilespmem:s18], [sflag:$0x3], $0x80, s10, s16, $0xb8;
	[tilespmem:$0x1A000] =	vst v63  }
0xb0: {  	_ =	swait.ge [sflag:s20], $0x2800  }
0xb1: {  	[sflag:s20] =	ssyncset.done $0x0  }
0xb2: {  	[sflag:s20] =	ssyncadd.s32 $0xFFFFD800  }
0xb3: {  	s7 =	simm.s32 $0x100;
	_ =	swait.ge [sflag:s20], $0x2800  }
0xb4: {  	s12 =	simm.s32 $0x200;
	s5 =	rddreg [dreg:$0x5];
	[sflag:s20] =	ssyncset.done $0x0  }
.LBB2_2:
0xb5: {  	[sflag:s20] =	ssyncadd.s32 $0xFFFFD800;
	s22 =	simm.s32 $0x14000;
	s5 =	sadd.s32 s7, s5  }
0xb6: {  	[tilespmem:s22], [sflag:$0x4] =	stream.linear.gather [hbm4b:s5+s4], $0x800, $0x38;
	[tilespmem:$0x1A000] =	vst v63  }
0xb7: {  	_ =	swait.ge [sflag:s13], $0x800  }
0xb8: {  	[sflag:s13] =	ssyncset.done $0x0  }
0xb9: {  	s5 =	sadd.s32 s7, s11;
	[sflag:s13] =	ssyncadd.s32 $0xFFFFF800  }
0xba: {  	[tilespmem:s15], [sflag:$0x4] =	stream.linear.gather [hbm4b:s5+s4], $0x800, $0x38;
	[tilespmem:$0x1A000] =	vst v63  }
0xbb: {  	_ =	swait.ge [sflag:s13], $0x800  }
0xbc: {  	s14 =	smov.u32 s12;
	[sflag:s13] =	ssyncset.done $0x0  }
0xbd: {  	s7 =	smov.u32 s14;
	s14 =	simm.s32 $0x14000;
	[sflag:s13] =	ssyncadd.s32 $0xFFFFF800  }
0xbe: {  	[tilespmem:s17], [sflag:$0x1] =	stream.indirect.gather [hbm4b:s1+s16], $0x80, s14, s16, $0xb8;
	[tilespmem:$0x1A000] =	vst v63  }
0xbf: {  	s5 =	rddreg [dreg:$0x6]  }
0xc0: {  	[tilespmem:s18], [sflag:$0x2] =	stream.indirect.gather [hbm4b:s1+s16], $0x80, s5, s16, $0xb8;
	[tilespmem:$0x1A000] =	vst v63  }
0xc1: {  	_ =	swait.ge [sflag:s19], $0x2800  }
0xc2: {  	[sflag:s19] =	ssyncset.done $0x0  }
0xc3: {  	[sflag:s19] =	ssyncadd.s32 $0xFFFFD800  }
0xc4: {  	[spmem:s2] =	stream.indirect.scatter.add.f32 [tilespmem:s17], [sflag:$0x3], $0x80, s15, s16, $0xb8;
	[tilespmem:$0x1A000] =	vst v63  }
0xc5: {  	_ =	swait.ge [sflag:s20], $0x2800  }
0xc6: {  	[sflag:s20] =	ssyncset.done $0x0  }
0xc7: {  	s5 =	rddreg [dreg:$0x7];
	[sflag:s20] =	ssyncadd.s32 $0xFFFFD800  }
0xc8: {  	[tilespmem:s17], [sflag:$0x1] =	stream.indirect.gather [hbm4b:s1+s16], $0x80, s5, s16, $0xb8;
	[tilespmem:$0x1A000] =	vst v63  }
0xc9: {  	_ =	swait.ge [sflag:s21], $0x2800  }
0xca: {  	[sflag:s21] =	ssyncset.done $0x0  }
0xcb: {  	s22 =	simm.s32 $0x14880;
	[sflag:s21] =	ssyncadd.s32 $0xFFFFD800  }
0xcc: {  	[spmem:s2] =	stream.indirect.scatter.add.f32 [tilespmem:s18], [sflag:$0x3], $0x80, s22, s16, $0xb8;
	[tilespmem:$0x1A000] =	vst v63  }
0xcd: {  	_ =	swait.ge [sflag:s20], $0x2800  }
0xce: {  	[sflag:s20] =	ssyncset.done $0x0  }
0xcf: {  	s5 =	rddreg [dreg:$0x8];
	[sflag:s20] =	ssyncadd.s32 $0xFFFFD800  }
0xd0: {  	[tilespmem:s18], [sflag:$0x2] =	stream.indirect.gather [hbm4b:s1+s16], $0x80, s5, s16, $0xb8;
	[tilespmem:$0x1A000] =	vst v63  }
0xd1: {  	_ =	swait.ge [sflag:s19], $0x2800  }
0xd2: {  	[sflag:s19] =	ssyncset.done $0x0  }
0xd3: {  	[sflag:s19] =	ssyncadd.s32 $0xFFFFD800  }
0xd4: {  	[spmem:s2] =	stream.indirect.scatter.add.f32 [tilespmem:s17], [sflag:$0x3], $0x80, s23, s16, $0xb8;
	[tilespmem:$0x1A000] =	vst v63  }
0xd5: {  	_ =	swait.ge [sflag:s20], $0x2800  }
0xd6: {  	[sflag:s20] =	ssyncset.done $0x0  }
0xd7: {  	s5 =	rddreg [dreg:$0x9];
	[sflag:s20] =	ssyncadd.s32 $0xFFFFD800  }
0xd8: {  	[tilespmem:s17], [sflag:$0x1] =	stream.indirect.gather [hbm4b:s1+s16], $0x80, s5, s16, $0xb8;
	[tilespmem:$0x1A000] =	vst v63  }
0xd9: {  	_ =	swait.ge [sflag:s21], $0x2800  }
0xda: {  	[sflag:s21] =	ssyncset.done $0x0  }
0xdb: {  	[sflag:s21] =	ssyncadd.s32 $0xFFFFD800  }
0xdc: {  	[spmem:s2] =	stream.indirect.scatter.add.f32 [tilespmem:s18], [sflag:$0x3], $0x80, s24, s16, $0xb8;
	[tilespmem:$0x1A000] =	vst v63  }
0xdd: {  	_ =	swait.ge [sflag:s20], $0x2800  }
0xde: {  	[sflag:s20] =	ssyncset.done $0x0  }
0xdf: {  	s5 =	rddreg [dreg:$0xa];
	[sflag:s20] =	ssyncadd.s32 $0xFFFFD800  }
0xe0: {  	[tilespmem:s18], [sflag:$0x2] =	stream.indirect.gather [hbm4b:s1+s16], $0x80, s5, s16, $0xb8;
	[tilespmem:$0x1A000] =	vst v63  }
0xe1: {  	_ =	swait.ge [sflag:s19], $0x2800  }
0xe2: {  	[sflag:s19] =	ssyncset.done $0x0  }
0xe3: {  	[sflag:s19] =	ssyncadd.s32 $0xFFFFD800  }
0xe4: {  	[spmem:s2] =	stream.indirect.scatter.add.f32 [tilespmem:s17], [sflag:$0x3], $0x80, s25, s16, $0xb8;
	[tilespmem:$0x1A000] =	vst v63  }
0xe5: {  	_ =	swait.ge [sflag:s20], $0x2800  }
0xe6: {  	[sflag:s20] =	ssyncset.done $0x0  }
0xe7: {  	s5 =	rddreg [dreg:$0xb];
	[sflag:s20] =	ssyncadd.s32 $0xFFFFD800  }
0xe8: {  	[tilespmem:s17], [sflag:$0x1] =	stream.indirect.gather [hbm4b:s1+s16], $0x80, s5, s16, $0xb8;
	[tilespmem:$0x1A000] =	vst v63  }
0xe9: {  	_ =	swait.ge [sflag:s21], $0x2800  }
0xea: {  	[sflag:s21] =	ssyncset.done $0x0  }
0xeb: {  	[sflag:s21] =	ssyncadd.s32 $0xFFFFD800  }
0xec: {  	[spmem:s2] =	stream.indirect.scatter.add.f32 [tilespmem:s18], [sflag:$0x3], $0x80, s26, s16, $0xb8;
	[tilespmem:$0x1A000] =	vst v63  }
0xed: {  	_ =	swait.ge [sflag:s20], $0x2800  }
0xee: {  	[sflag:s20] =	ssyncset.done $0x0  }
0xef: {  	s5 =	rddreg [dreg:$0xc];
	[sflag:s20] =	ssyncadd.s32 $0xFFFFD800  }
0xf0: {  	[tilespmem:s18], [sflag:$0x2] =	stream.indirect.gather [hbm4b:s1+s16], $0x80, s5, s16, $0xb8;
	[tilespmem:$0x1A000] =	vst v63  }
0xf1: {  	_ =	swait.ge [sflag:s19], $0x2800  }
0xf2: {  	[sflag:s19] =	ssyncset.done $0x0  }
0xf3: {  	[sflag:s19] =	ssyncadd.s32 $0xFFFFD800  }
0xf4: {  	[spmem:s2] =	stream.indirect.scatter.add.f32 [tilespmem:s17], [sflag:$0x3], $0x80, s28, s16, $0xb8;
	[tilespmem:$0x1A000] =	vst v63  }
0xf5: {  	_ =	swait.ge [sflag:s20], $0x2800  }
0xf6: {  	[sflag:s20] =	ssyncset.done $0x0  }
0xf7: {  	s5 =	rddreg [dreg:$0xd];
	[sflag:s20] =	ssyncadd.s32 $0xFFFFD800  }
0xf8: {  	[tilespmem:s17], [sflag:$0x1] =	stream.indirect.gather [hbm4b:s1+s16], $0x80, s5, s16, $0xb8;
	[tilespmem:$0x1A000] =	vst v63  }
0xf9: {  	_ =	swait.ge [sflag:s21], $0x2800  }
0xfa: {  	[sflag:s21] =	ssyncset.done $0x0  }
0xfb: {  	[sflag:s21] =	ssyncadd.s32 $0xFFFFD800  }
0xfc: {  	[spmem:s2] =	stream.indirect.scatter.add.f32 [tilespmem:s18], [sflag:$0x3], $0x80, s29, s16, $0xb8;
	[tilespmem:$0x1A000] =	vst v63  }
0xfd: {  	_ =	swait.ge [sflag:s20], $0x2800  }
0xfe: {  	[sflag:s20] =	ssyncset.done $0x0  }
0xff: {  	s5 =	rddreg [dreg:$0xe];
	[sflag:s20] =	ssyncadd.s32 $0xFFFFD800  }
0x100: {  	[tilespmem:s18], [sflag:$0x2] =	stream.indirect.gather [hbm4b:s1+s16], $0x80, s5, s16, $0xb8;
	[tilespmem:$0x1A000] =	vst v63  }
0x101: {  	_ =	swait.ge [sflag:s19], $0x2800  }
0x102: {  	[sflag:s19] =	ssyncset.done $0x0  }
0x103: {  	[sflag:s19] =	ssyncadd.s32 $0xFFFFD800  }
0x104: {  	[spmem:s2] =	stream.indirect.scatter.add.f32 [tilespmem:s17], [sflag:$0x3], $0x80, s30, s16, $0xb8;
	[tilespmem:$0x1A000] =	vst v63  }
0x105: {  	_ =	swait.ge [sflag:s20], $0x2800  }
0x106: {  	[sflag:s20] =	ssyncset.done $0x0  }
0x107: {  	s5 =	rddreg [dreg:$0xf];
	[sflag:s20] =	ssyncadd.s32 $0xFFFFD800  }
0x108: {  	[tilespmem:s17], [sflag:$0x1] =	stream.indirect.gather [hbm4b:s1+s16], $0x80, s5, s16, $0xb8;
	[tilespmem:$0x1A000] =	vst v63  }
0x109: {  	_ =	swait.ge [sflag:s21], $0x2800  }
0x10a: {  	[sflag:s21] =	ssyncset.done $0x0  }
0x10b: {  	[sflag:s21] =	ssyncadd.s32 $0xFFFFD800  }
0x10c: {  	[spmem:s2] =	stream.indirect.scatter.add.f32 [tilespmem:s18], [sflag:$0x3], $0x80, s31, s16, $0xb8;
	[tilespmem:$0x1A000] =	vst v63  }
0x10d: {  	_ =	swait.ge [sflag:s20], $0x2800  }
0x10e: {  	[sflag:s20] =	ssyncset.done $0x0  }
0x10f: {  	s5 =	rddreg [dreg:$0x10];
	[sflag:s20] =	ssyncadd.s32 $0xFFFFD800  }
0x110: {  	[tilespmem:s18], [sflag:$0x2] =	stream.indirect.gather [hbm4b:s1+s16], $0x80, s5, s16, $0xb8;
	[tilespmem:$0x1A000] =	vst v63  }
0x111: {  	_ =	swait.ge [sflag:s19], $0x2800  }
0x112: {  	[sflag:s19] =	ssyncset.done $0x0  }
0x113: {  	[sflag:s19] =	ssyncadd.s32 $0xFFFFD800  }
0x114: {  	[spmem:s2] =	stream.indirect.scatter.add.f32 [tilespmem:s17], [sflag:$0x3], $0x80, s0, s16, $0xb8;
	[tilespmem:$0x1A000] =	vst v63  }
0x115: {  	_ =	swait.ge [sflag:s20], $0x2800  }
0x116: {  	[sflag:s20] =	ssyncset.done $0x0  }
0x117: {  	s5 =	rddreg [dreg:$0x11];
	[sflag:s20] =	ssyncadd.s32 $0xFFFFD800  }
0x118: {  	[tilespmem:s17], [sflag:$0x1] =	stream.indirect.gather [hbm4b:s1+s16], $0x80, s5, s16, $0xb8;
	[tilespmem:$0x1A000] =	vst v63  }
0x119: {  	_ =	swait.ge [sflag:s21], $0x2800  }
0x11a: {  	[sflag:s21] =	ssyncset.done $0x0  }
0x11b: {  	[sflag:s21] =	ssyncadd.s32 $0xFFFFD800  }
0x11c: {  	[spmem:s2] =	stream.indirect.scatter.add.f32 [tilespmem:s18], [sflag:$0x3], $0x80, s3, s16, $0xb8;
	[tilespmem:$0x1A000] =	vst v63  }
0x11d: {  	_ =	swait.ge [sflag:s20], $0x2800  }
0x11e: {  	[sflag:s20] =	ssyncset.done $0x0  }
0x11f: {  	s5 =	rddreg [dreg:$0x12];
	[sflag:s20] =	ssyncadd.s32 $0xFFFFD800  }
0x120: {  	[tilespmem:s18], [sflag:$0x2] =	stream.indirect.gather [hbm4b:s1+s16], $0x80, s5, s16, $0xb8;
	[tilespmem:$0x1A000] =	vst v63  }
0x121: {  	_ =	swait.ge [sflag:s19], $0x2800  }
0x122: {  	[sflag:s19] =	ssyncset.done $0x0  }
0x123: {  	[sflag:s19] =	ssyncadd.s32 $0xFFFFD800  }
0x124: {  	[spmem:s2] =	stream.indirect.scatter.add.f32 [tilespmem:s17], [sflag:$0x3], $0x80, s6, s16, $0xb8;
	[tilespmem:$0x1A000] =	vst v63  }
0x125: {  	_ =	swait.ge [sflag:s20], $0x2800  }
0x126: {  	[sflag:s20] =	ssyncset.done $0x0  }
0x127: {  	s5 =	rddreg [dreg:$0x13];
	[sflag:s20] =	ssyncadd.s32 $0xFFFFD800  }
0x128: {  	[tilespmem:s17], [sflag:$0x1] =	stream.indirect.gather [hbm4b:s1+s16], $0x80, s5, s16, $0xb8;
	[tilespmem:$0x1A000] =	vst v63  }
0x129: {  	_ =	swait.ge [sflag:s21], $0x2800  }
0x12a: {  	[sflag:s21] =	ssyncset.done $0x0  }
0x12b: {  	[sflag:s21] =	ssyncadd.s32 $0xFFFFD800  }
0x12c: {  	[spmem:s2] =	stream.indirect.scatter.add.f32 [tilespmem:s18], [sflag:$0x3], $0x80, s8, s16, $0xb8;
	[tilespmem:$0x1A000] =	vst v63  }
0x12d: {  	_ =	swait.ge [sflag:s20], $0x2800  }
0x12e: {  	[sflag:s20] =	ssyncset.done $0x0  }
0x12f: {  	s5 =	rddreg [dreg:$0x14];
	[sflag:s20] =	ssyncadd.s32 $0xFFFFD800  }
0x130: {  	[tilespmem:s18], [sflag:$0x2] =	stream.indirect.gather [hbm4b:s1+s16], $0x80, s5, s16, $0xb8;
	[tilespmem:$0x1A000] =	vst v63  }
0x131: {  	_ =	swait.ge [sflag:s19], $0x2800  }
0x132: {  	[sflag:s19] =	ssyncset.done $0x0  }
0x133: {  	[sflag:s19] =	ssyncadd.s32 $0xFFFFD800  }
0x134: {  	[spmem:s2] =	stream.indirect.scatter.add.f32 [tilespmem:s17], [sflag:$0x3], $0x80, s9, s16, $0xb8;
	[tilespmem:$0x1A000] =	vst v63  }
0x135: {  	_ =	swait.ge [sflag:s21], $0x2800  }
0x136: {  	[sflag:s21] =	ssyncset.done $0x0  }
0x137: {  	p0 =	sne.s32 s12, $0xF00;
	[sflag:s21] =	ssyncadd.s32 $0xFFFFD800  }
0x138: {  	[spmem:s2] =	stream.indirect.scatter.add.f32 [tilespmem:s18], [sflag:$0x3], $0x80, s10, s16, $0xb8;
	[tilespmem:$0x1A000] =	vst v63  }
.Ltmp0:
0x139: {  	_ =	swait.ge [sflag:s20], $0x2800;
	(pc) =	sbr.rel @p0 .LBB2_2-.Ltmp0, $4  }
0x13a: {  	[sflag:s20] =	ssyncset.done $0x0  }
0x13b: {  	[sflag:s20] =	ssyncadd.s32 $0xFFFFD800  }
0x13c: {  	_ =	swait.ge [sflag:s20], $0x2800  }
0x13d: {  	s12 =	sadd.s32 $0x100, s12;
	s5 =	rddreg [dreg:$0x5];
	[sflag:s20] =	ssyncset.done $0x0  }
0x13e: {  	[sflag:s20] =	ssyncadd.s32 $0xFFFFD800;
	s5 =	sadd.s32 s7, s5  }
0x13f: {  	[tilespmem:s14], [sflag:$0x4] =	stream.linear.gather [hbm4b:s5+s4], $0x800, $0x38;
	[tilespmem:$0x1A000] =	vst v63  }
0x140: {  	_ =	swait.ge [sflag:s13], $0x800  }
0x141: {  	[sflag:s13] =	ssyncset.done $0x0  }
0x142: {  	s7 =	sadd.s32 s7, s11;
	[sflag:s13] =	ssyncadd.s32 $0xFFFFF800  }
0x143: {  	[tilespmem:s15], [sflag:$0x4] =	stream.linear.gather [hbm4b:s7+s4], $0x800, $0x38;
	[tilespmem:$0x1A000] =	vst v63  }
0x144: {  	_ =	swait.ge [sflag:s13], $0x800  }
0x145: {  	[sflag:s13] =	ssyncset.done $0x0  }
0x146: {  	[sflag:s13] =	ssyncadd.s32 $0xFFFFF800  }
0x147: {  	[tilespmem:s17], [sflag:$0x1] =	stream.indirect.gather [hbm4b:s1+s16], $0x80, s14, s16, $0xb8;
	[tilespmem:$0x1A000] =	vst v63  }
0x148: {  	s12 =	rddreg [dreg:$0x6]  }
0x149: {  	[tilespmem:s18], [sflag:$0x2] =	stream.indirect.gather [hbm4b:s1+s16], $0x80, s12, s16, $0xb8;
	[tilespmem:$0x1A000] =	vst v63  }
0x14a: {  	_ =	swait.ge [sflag:s19], $0x2800  }
0x14b: {  	[sflag:s19] =	ssyncset.done $0x0  }
0x14c: {  	[sflag:s19] =	ssyncadd.s32 $0xFFFFD800  }
0x14d: {  	[spmem:s2] =	stream.indirect.scatter.add.f32 [tilespmem:s17], [sflag:$0x3], $0x80, s15, s16, $0xb8;
	[tilespmem:$0x1A000] =	vst v63  }
0x14e: {  	_ =	swait.ge [sflag:s20], $0x2800  }
0x14f: {  	[sflag:s20] =	ssyncset.done $0x0  }
0x150: {  	s7 =	rddreg [dreg:$0x7];
	[sflag:s20] =	ssyncadd.s32 $0xFFFFD800  }
0x151: {  	[tilespmem:s17], [sflag:$0x1] =	stream.indirect.gather [hbm4b:s1+s16], $0x80, s7, s16, $0xb8;
	[tilespmem:$0x1A000] =	vst v63  }
0x152: {  	_ =	swait.ge [sflag:s21], $0x2800  }
0x153: {  	[sflag:s21] =	ssyncset.done $0x0  }
0x154: {  	[sflag:s21] =	ssyncadd.s32 $0xFFFFD800  }
0x155: {  	[spmem:s2] =	stream.indirect.scatter.add.f32 [tilespmem:s18], [sflag:$0x3], $0x80, s22, s16, $0xb8;
	[tilespmem:$0x1A000] =	vst v63  }
0x156: {  	_ =	swait.ge [sflag:s20], $0x2800  }
0x157: {  	[sflag:s20] =	ssyncset.done $0x0  }
0x158: {  	s12 =	rddreg [dreg:$0x8];
	[sflag:s20] =	ssyncadd.s32 $0xFFFFD800  }
0x159: {  	[tilespmem:s18], [sflag:$0x2] =	stream.indirect.gather [hbm4b:s1+s16], $0x80, s12, s16, $0xb8;
	[tilespmem:$0x1A000] =	vst v63  }
0x15a: {  	_ =	swait.ge [sflag:s19], $0x2800  }
0x15b: {  	[sflag:s19] =	ssyncset.done $0x0  }
0x15c: {  	[sflag:s19] =	ssyncadd.s32 $0xFFFFD800  }
0x15d: {  	[spmem:s2] =	stream.indirect.scatter.add.f32 [tilespmem:s17], [sflag:$0x3], $0x80, s23, s16, $0xb8;
	[tilespmem:$0x1A000] =	vst v63  }
0x15e: {  	_ =	swait.ge [sflag:s20], $0x2800  }
0x15f: {  	[sflag:s20] =	ssyncset.done $0x0  }
0x160: {  	s14 =	rddreg [dreg:$0x9];
	[sflag:s20] =	ssyncadd.s32 $0xFFFFD800  }
0x161: {  	[tilespmem:s17], [sflag:$0x1] =	stream.indirect.gather [hbm4b:s1+s16], $0x80, s14, s16, $0xb8;
	[tilespmem:$0x1A000] =	vst v63  }
0x162: {  	_ =	swait.ge [sflag:s21], $0x2800  }
0x163: {  	[sflag:s21] =	ssyncset.done $0x0  }
0x164: {  	[sflag:s21] =	ssyncadd.s32 $0xFFFFD800  }
0x165: {  	[spmem:s2] =	stream.indirect.scatter.add.f32 [tilespmem:s18], [sflag:$0x3], $0x80, s24, s16, $0xb8;
	[tilespmem:$0x1A000] =	vst v63  }
0x166: {  	_ =	swait.ge [sflag:s20], $0x2800  }
0x167: {  	[sflag:s20] =	ssyncset.done $0x0  }
0x168: {  	s7 =	rddreg [dreg:$0xa];
	[sflag:s20] =	ssyncadd.s32 $0xFFFFD800  }
0x169: {  	[tilespmem:s18], [sflag:$0x2] =	stream.indirect.gather [hbm4b:s1+s16], $0x80, s7, s16, $0xb8;
	[tilespmem:$0x1A000] =	vst v63  }
0x16a: {  	_ =	swait.ge [sflag:s19], $0x2800  }
0x16b: {  	[sflag:s19] =	ssyncset.done $0x0  }
0x16c: {  	[sflag:s19] =	ssyncadd.s32 $0xFFFFD800  }
0x16d: {  	[spmem:s2] =	stream.indirect.scatter.add.f32 [tilespmem:s17], [sflag:$0x3], $0x80, s25, s16, $0xb8;
	[tilespmem:$0x1A000] =	vst v63  }
0x16e: {  	_ =	swait.ge [sflag:s20], $0x2800  }
0x16f: {  	[sflag:s20] =	ssyncset.done $0x0  }
0x170: {  	s12 =	rddreg [dreg:$0xb];
	[sflag:s20] =	ssyncadd.s32 $0xFFFFD800  }
0x171: {  	[tilespmem:s17], [sflag:$0x1] =	stream.indirect.gather [hbm4b:s1+s16], $0x80, s12, s16, $0xb8;
	[tilespmem:$0x1A000] =	vst v63  }
0x172: {  	_ =	swait.ge [sflag:s21], $0x2800  }
0x173: {  	[sflag:s21] =	ssyncset.done $0x0  }
0x174: {  	[sflag:s21] =	ssyncadd.s32 $0xFFFFD800  }
0x175: {  	[spmem:s2] =	stream.indirect.scatter.add.f32 [tilespmem:s18], [sflag:$0x3], $0x80, s26, s16, $0xb8;
	[tilespmem:$0x1A000] =	vst v63  }
0x176: {  	_ =	swait.ge [sflag:s20], $0x2800  }
0x177: {  	[sflag:s20] =	ssyncset.done $0x0  }
0x178: {  	s14 =	rddreg [dreg:$0xc];
	[sflag:s20] =	ssyncadd.s32 $0xFFFFD800  }
0x179: {  	[tilespmem:s18], [sflag:$0x2] =	stream.indirect.gather [hbm4b:s1+s16], $0x80, s14, s16, $0xb8;
	[tilespmem:$0x1A000] =	vst v63  }
0x17a: {  	_ =	swait.ge [sflag:s19], $0x2800  }
0x17b: {  	[sflag:s19] =	ssyncset.done $0x0  }
0x17c: {  	[sflag:s19] =	ssyncadd.s32 $0xFFFFD800  }
0x17d: {  	[spmem:s2] =	stream.indirect.scatter.add.f32 [tilespmem:s17], [sflag:$0x3], $0x80, s28, s16, $0xb8;
	[tilespmem:$0x1A000] =	vst v63  }
0x17e: {  	_ =	swait.ge [sflag:s20], $0x2800  }
0x17f: {  	[sflag:s20] =	ssyncset.done $0x0  }
0x180: {  	s7 =	rddreg [dreg:$0xd];
	[sflag:s20] =	ssyncadd.s32 $0xFFFFD800  }
0x181: {  	[tilespmem:s17], [sflag:$0x1] =	stream.indirect.gather [hbm4b:s1+s16], $0x80, s7, s16, $0xb8;
	[tilespmem:$0x1A000] =	vst v63  }
0x182: {  	_ =	swait.ge [sflag:s21], $0x2800  }
0x183: {  	[sflag:s21] =	ssyncset.done $0x0  }
0x184: {  	[sflag:s21] =	ssyncadd.s32 $0xFFFFD800  }
0x185: {  	[spmem:s2] =	stream.indirect.scatter.add.f32 [tilespmem:s18], [sflag:$0x3], $0x80, s29, s16, $0xb8;
	[tilespmem:$0x1A000] =	vst v63  }
0x186: {  	_ =	swait.ge [sflag:s20], $0x2800  }
0x187: {  	[sflag:s20] =	ssyncset.done $0x0  }
0x188: {  	s12 =	rddreg [dreg:$0xe];
	[sflag:s20] =	ssyncadd.s32 $0xFFFFD800  }
0x189: {  	[tilespmem:s18], [sflag:$0x2] =	stream.indirect.gather [hbm4b:s1+s16], $0x80, s12, s16, $0xb8;
	[tilespmem:$0x1A000] =	vst v63  }
0x18a: {  	_ =	swait.ge [sflag:s19], $0x2800  }
0x18b: {  	[sflag:s19] =	ssyncset.done $0x0  }
0x18c: {  	[sflag:s19] =	ssyncadd.s32 $0xFFFFD800  }
0x18d: {  	[spmem:s2] =	stream.indirect.scatter.add.f32 [tilespmem:s17], [sflag:$0x3], $0x80, s30, s16, $0xb8;
	[tilespmem:$0x1A000] =	vst v63  }
0x18e: {  	_ =	swait.ge [sflag:s20], $0x2800  }
0x18f: {  	[sflag:s20] =	ssyncset.done $0x0  }
0x190: {  	s14 =	rddreg [dreg:$0xf];
	[sflag:s20] =	ssyncadd.s32 $0xFFFFD800  }
0x191: {  	[tilespmem:s17], [sflag:$0x1] =	stream.indirect.gather [hbm4b:s1+s16], $0x80, s14, s16, $0xb8;
	[tilespmem:$0x1A000] =	vst v63  }
0x192: {  	_ =	swait.ge [sflag:s21], $0x2800  }
0x193: {  	[sflag:s21] =	ssyncset.done $0x0  }
0x194: {  	[sflag:s21] =	ssyncadd.s32 $0xFFFFD800  }
0x195: {  	[spmem:s2] =	stream.indirect.scatter.add.f32 [tilespmem:s18], [sflag:$0x3], $0x80, s31, s16, $0xb8;
	[tilespmem:$0x1A000] =	vst v63  }
0x196: {  	_ =	swait.ge [sflag:s20], $0x2800  }
0x197: {  	[sflag:s20] =	ssyncset.done $0x0  }
0x198: {  	s7 =	rddreg [dreg:$0x10];
	[sflag:s20] =	ssyncadd.s32 $0xFFFFD800  }
0x199: {  	[tilespmem:s18], [sflag:$0x2] =	stream.indirect.gather [hbm4b:s1+s16], $0x80, s7, s16, $0xb8;
	[tilespmem:$0x1A000] =	vst v63  }
0x19a: {  	_ =	swait.ge [sflag:s19], $0x2800  }
0x19b: {  	[sflag:s19] =	ssyncset.done $0x0  }
0x19c: {  	[sflag:s19] =	ssyncadd.s32 $0xFFFFD800  }
0x19d: {  	[spmem:s2] =	stream.indirect.scatter.add.f32 [tilespmem:s17], [sflag:$0x3], $0x80, s0, s16, $0xb8;
	[tilespmem:$0x1A000] =	vst v63  }
0x19e: {  	_ =	swait.ge [sflag:s20], $0x2800  }
0x19f: {  	[sflag:s20] =	ssyncset.done $0x0  }
0x1a0: {  	s12 =	rddreg [dreg:$0x11];
	[sflag:s20] =	ssyncadd.s32 $0xFFFFD800  }
0x1a1: {  	[tilespmem:s17], [sflag:$0x1] =	stream.indirect.gather [hbm4b:s1+s16], $0x80, s12, s16, $0xb8;
	[tilespmem:$0x1A000] =	vst v63  }
0x1a2: {  	_ =	swait.ge [sflag:s21], $0x2800  }
0x1a3: {  	[sflag:s21] =	ssyncset.done $0x0  }
0x1a4: {  	[sflag:s21] =	ssyncadd.s32 $0xFFFFD800  }
0x1a5: {  	[spmem:s2] =	stream.indirect.scatter.add.f32 [tilespmem:s18], [sflag:$0x3], $0x80, s3, s16, $0xb8;
	[tilespmem:$0x1A000] =	vst v63  }
0x1a6: {  	_ =	swait.ge [sflag:s20], $0x2800  }
0x1a7: {  	[sflag:s20] =	ssyncset.done $0x0  }
0x1a8: {  	s14 =	rddreg [dreg:$0x12];
	[sflag:s20] =	ssyncadd.s32 $0xFFFFD800  }
0x1a9: {  	[tilespmem:s18], [sflag:$0x2] =	stream.indirect.gather [hbm4b:s1+s16], $0x80, s14, s16, $0xb8;
	[tilespmem:$0x1A000] =	vst v63  }
0x1aa: {  	_ =	swait.ge [sflag:s19], $0x2800  }
0x1ab: {  	[sflag:s19] =	ssyncset.done $0x0  }
0x1ac: {  	[sflag:s19] =	ssyncadd.s32 $0xFFFFD800  }
0x1ad: {  	[spmem:s2] =	stream.indirect.scatter.add.f32 [tilespmem:s17], [sflag:$0x3], $0x80, s6, s16, $0xb8;
	[tilespmem:$0x1A000] =	vst v63  }
0x1ae: {  	_ =	swait.ge [sflag:s20], $0x2800  }
0x1af: {  	[sflag:s20] =	ssyncset.done $0x0  }
0x1b0: {  	s7 =	rddreg [dreg:$0x13];
	[sflag:s20] =	ssyncadd.s32 $0xFFFFD800  }
0x1b1: {  	[tilespmem:s17], [sflag:$0x1] =	stream.indirect.gather [hbm4b:s1+s16], $0x80, s7, s16, $0xb8;
	[tilespmem:$0x1A000] =	vst v63  }
0x1b2: {  	_ =	swait.ge [sflag:s21], $0x2800  }
0x1b3: {  	[sflag:s21] =	ssyncset.done $0x0  }
0x1b4: {  	[sflag:s21] =	ssyncadd.s32 $0xFFFFD800  }
0x1b5: {  	[spmem:s2] =	stream.indirect.scatter.add.f32 [tilespmem:s18], [sflag:$0x3], $0x80, s8, s16, $0xb8;
	[tilespmem:$0x1A000] =	vst v63  }
0x1b6: {  	_ =	swait.ge [sflag:s20], $0x2800  }
0x1b7: {  	[sflag:s20] =	ssyncset.done $0x0  }
0x1b8: {  	s12 =	rddreg [dreg:$0x14];
	[sflag:s20] =	ssyncadd.s32 $0xFFFFD800  }
0x1b9: {  	[tilespmem:s18], [sflag:$0x2] =	stream.indirect.gather [hbm4b:s1+s16], $0x80, s12, s16, $0xb8;
	[tilespmem:$0x1A000] =	vst v63  }
0x1ba: {  	_ =	swait.ge [sflag:s19], $0x2800  }
0x1bb: {  	[sflag:s19] =	ssyncset.done $0x0  }
0x1bc: {  	[sflag:s19] =	ssyncadd.s32 $0xFFFFD800  }
0x1bd: {  	[spmem:s2] =	stream.indirect.scatter.add.f32 [tilespmem:s17], [sflag:$0x3], $0x80, s9, s16, $0xb8;
	[tilespmem:$0x1A000] =	vst v63  }
0x1be: {  	_ =	swait.ge [sflag:s21], $0x2800  }
0x1bf: {  	[sflag:s21] =	ssyncset.done $0x0  }
0x1c0: {  	[sflag:s21] =	ssyncadd.s32 $0xFFFFD800  }
0x1c1: {  	[spmem:s2] =	stream.indirect.scatter.add.f32 [tilespmem:s18], [sflag:$0x3], $0x80, s10, s16, $0xb8;
	[tilespmem:$0x1A000] =	vst v63  }
0x1c2: {  	_ =	swait.ge [sflag:s20], $0x2800  }
0x1c3: {  	[sflag:s20] =	ssyncset.done $0x0  }
0x1c4: {  	[sflag:s20] =	ssyncadd.s32 $0xFFFFD800  }
0x1c5: {  	_ =	swait.ge [sflag:s20], $0x2800  }
0x1c6: {  	[sflag:s20] =	ssyncset.done $0x0  }
0x1c7: {  	[sflag:s20] =	ssyncadd.s32 $0xFFFFD800  }
0x1c8: {  	[bflag:$0x0] =	sbarrier.arrive $0xFFFF  }
0x1c9: {  	s7 =	rddreg [dreg:$0x17]  }
0x1ca: {  	s14 =	rddreg [dreg:$0x18]  }
0x1cb: {  	s12 =	rddreg [dreg:$0x1b]  }
0x1cc: {  	[hbm:s14], [sflag:s7] =	dma.local [spmem:s12], $0x2800  }
0x1cd: {  	_ =	swait.ge [sflag:s13], $0x2800  }
0x1ce: {  	[sflag:s13] =	ssyncset.done $0x0  }
0x1cf: {  	[sflag:s13] =	ssyncadd.s32 $0xFFFFD800  }
0x1d0: {  	[bflag:$0x0] =	sbarrier.arrive $0xFFFF  }
0x1d1: {  	s14 =	rddreg [dreg:$0x15]  }
0x1d2: {  	[spmem:s12], [sflag:s7] =	dma.local [hbm:s14], $0x2800  }
0x1d3: {  	_ =	swait.ge [sflag:s13], $0x2800  }
0x1d4: {  	[sflag:s13] =	ssyncset.done $0x0  }
0x1d5: {  	s7 =	simm.s32 $0x0;
	s12 =	rddreg [dreg:$0x16];
	[sflag:s13] =	ssyncadd.s32 $0xFFFFD800  }
0x1d6: {  	[tilespmem:s17], [sflag:$0x4] =	stream.linear.gather [hbm4b:s12+s7], $0x2800, $0x38;
	[tilespmem:$0x1A000] =	vst v63  }
0x1d7: {  	_ =	swait.ge [sflag:s13], $0x2800  }
0x1d8: {  	[sflag:s13] =	ssyncset.done $0x0  }
0x1d9: {  	[sflag:s13] =	ssyncadd.s32 $0xFFFFD800  }
0x1da: {  	s14 =	sadd.s32 $0x0, s11;
	[bflag:$0x0] =	sbarrier.arrive $0xFFFF  }
0x1db: {  	[tilespmem:s15], [sflag:$0x4] =	stream.linear.gather [hbm4b:s14+s4], $0x800, $0x38;
	[tilespmem:$0x1A000] =	vst v63  }
0x1dc: {  	_ =	swait.ge [sflag:s13], $0x800  }
0x1dd: {  	[sflag:s13] =	ssyncset.done $0x0  }
0x1de: {  	[sflag:s13] =	ssyncadd.s32 $0xFFFFF800  }
0x1df: {  	[spmem:s2] =	stream.indirect.scatter.add.f32 [tilespmem:s17], [sflag:$0x1], $0x80, s15, s16, $0xb8;
	[tilespmem:$0x1A000] =	vst v63  }
0x1e0: {  	_ = 	snop  }
0x1e1: {  	[spmem:s2] =	stream.indirect.scatter.add.f32 [tilespmem:s17], [sflag:$0x1], $0x80, s22, s16, $0xb8;
	[tilespmem:$0x1A000] =	vst v63  }
0x1e2: {  	_ = 	snop  }
0x1e3: {  	[spmem:s2] =	stream.indirect.scatter.add.f32 [tilespmem:s17], [sflag:$0x1], $0x80, s23, s16, $0xb8;
	[tilespmem:$0x1A000] =	vst v63  }
0x1e4: {  	_ = 	snop  }
0x1e5: {  	[spmem:s2] =	stream.indirect.scatter.add.f32 [tilespmem:s17], [sflag:$0x1], $0x80, s24, s16, $0xb8;
	[tilespmem:$0x1A000] =	vst v63  }
0x1e6: {  	_ =	swait.ge [sflag:s19], $0x2800  }
0x1e7: {  	[sflag:s19] =	ssyncset.done $0x0  }
0x1e8: {  	[sflag:s19] =	ssyncadd.s32 $0xFFFFD800  }
0x1e9: {  	[spmem:s2] =	stream.indirect.scatter.add.f32 [tilespmem:s17], [sflag:$0x1], $0x80, s25, s16, $0xb8;
	[tilespmem:$0x1A000] =	vst v63  }
0x1ea: {  	_ =	swait.ge [sflag:s19], $0x2800  }
0x1eb: {  	[sflag:s19] =	ssyncset.done $0x0  }
0x1ec: {  	[sflag:s19] =	ssyncadd.s32 $0xFFFFD800  }
0x1ed: {  	[spmem:s2] =	stream.indirect.scatter.add.f32 [tilespmem:s17], [sflag:$0x1], $0x80, s26, s16, $0xb8;
	[tilespmem:$0x1A000] =	vst v63  }
0x1ee: {  	_ =	swait.ge [sflag:s19], $0x2800  }
0x1ef: {  	[sflag:s19] =	ssyncset.done $0x0  }
0x1f0: {  	[sflag:s19] =	ssyncadd.s32 $0xFFFFD800  }
0x1f1: {  	[spmem:s2] =	stream.indirect.scatter.add.f32 [tilespmem:s17], [sflag:$0x1], $0x80, s28, s16, $0xb8;
	[tilespmem:$0x1A000] =	vst v63  }
0x1f2: {  	_ =	swait.ge [sflag:s19], $0x2800  }
0x1f3: {  	[sflag:s19] =	ssyncset.done $0x0  }
0x1f4: {  	[sflag:s19] =	ssyncadd.s32 $0xFFFFD800  }
0x1f5: {  	[spmem:s2] =	stream.indirect.scatter.add.f32 [tilespmem:s17], [sflag:$0x1], $0x80, s29, s16, $0xb8;
	[tilespmem:$0x1A000] =	vst v63  }
0x1f6: {  	_ =	swait.ge [sflag:s19], $0x2800  }
0x1f7: {  	[sflag:s19] =	ssyncset.done $0x0  }
0x1f8: {  	[sflag:s19] =	ssyncadd.s32 $0xFFFFD800  }
0x1f9: {  	[spmem:s2] =	stream.indirect.scatter.add.f32 [tilespmem:s17], [sflag:$0x1], $0x80, s30, s16, $0xb8;
	[tilespmem:$0x1A000] =	vst v63  }
0x1fa: {  	_ =	swait.ge [sflag:s19], $0x2800  }
0x1fb: {  	[sflag:s19] =	ssyncset.done $0x0  }
0x1fc: {  	[sflag:s19] =	ssyncadd.s32 $0xFFFFD800  }
0x1fd: {  	[spmem:s2] =	stream.indirect.scatter.add.f32 [tilespmem:s17], [sflag:$0x1], $0x80, s31, s16, $0xb8;
	[tilespmem:$0x1A000] =	vst v63  }
0x1fe: {  	_ =	swait.ge [sflag:s19], $0x2800  }
0x1ff: {  	[sflag:s19] =	ssyncset.done $0x0  }
0x200: {  	[sflag:s19] =	ssyncadd.s32 $0xFFFFD800  }
0x201: {  	[spmem:s2] =	stream.indirect.scatter.add.f32 [tilespmem:s17], [sflag:$0x1], $0x80, s0, s16, $0xb8;
	[tilespmem:$0x1A000] =	vst v63  }
0x202: {  	_ =	swait.ge [sflag:s19], $0x2800  }
0x203: {  	[sflag:s19] =	ssyncset.done $0x0  }
0x204: {  	[sflag:s19] =	ssyncadd.s32 $0xFFFFD800  }
0x205: {  	[spmem:s2] =	stream.indirect.scatter.add.f32 [tilespmem:s17], [sflag:$0x1], $0x80, s3, s16, $0xb8;
	[tilespmem:$0x1A000] =	vst v63  }
0x206: {  	_ =	swait.ge [sflag:s19], $0x2800  }
0x207: {  	[sflag:s19] =	ssyncset.done $0x0  }
0x208: {  	[sflag:s19] =	ssyncadd.s32 $0xFFFFD800  }
0x209: {  	[spmem:s2] =	stream.indirect.scatter.add.f32 [tilespmem:s17], [sflag:$0x1], $0x80, s6, s16, $0xb8;
	[tilespmem:$0x1A000] =	vst v63  }
0x20a: {  	_ =	swait.ge [sflag:s19], $0x2800  }
0x20b: {  	[sflag:s19] =	ssyncset.done $0x0  }
0x20c: {  	[sflag:s19] =	ssyncadd.s32 $0xFFFFD800  }
0x20d: {  	[spmem:s2] =	stream.indirect.scatter.add.f32 [tilespmem:s17], [sflag:$0x1], $0x80, s8, s16, $0xb8;
	[tilespmem:$0x1A000] =	vst v63  }
0x20e: {  	_ =	swait.ge [sflag:s19], $0x2800  }
0x20f: {  	[sflag:s19] =	ssyncset.done $0x0  }
0x210: {  	[sflag:s19] =	ssyncadd.s32 $0xFFFFD800  }
0x211: {  	[spmem:s2] =	stream.indirect.scatter.add.f32 [tilespmem:s17], [sflag:$0x1], $0x80, s9, s16, $0xb8;
	[tilespmem:$0x1A000] =	vst v63  }
0x212: {  	_ =	swait.ge [sflag:s19], $0x2800  }
0x213: {  	[sflag:s19] =	ssyncset.done $0x0  }
0x214: {  	[sflag:s19] =	ssyncadd.s32 $0xFFFFD800  }
0x215: {  	[spmem:s2] =	stream.indirect.scatter.add.f32 [tilespmem:s17], [sflag:$0x1], $0x80, s10, s16, $0xb8;
	[tilespmem:$0x1A000] =	vst v63  }
0x216: {  	_ =	swait.ge [sflag:s19], $0x2800  }
0x217: {  	[sflag:s19] =	ssyncset.done $0x0  }
0x218: {  	[sflag:s19] =	ssyncadd.s32 $0xFFFFD800  }
0x219: {  	_ =	swait.ge [sflag:s19], $0x2800  }
0x21a: {  	[sflag:s19] =	ssyncset.done $0x0  }
0x21b: {  	[sflag:s19] =	ssyncadd.s32 $0xFFFFD800  }
0x21c: {  	_ =	swait.ge [sflag:s19], $0x2800  }
0x21d: {  	[sflag:s19] =	ssyncset.done $0x0  }
0x21e: {  	[sflag:s19] =	ssyncadd.s32 $0xFFFFD800  }
0x21f: {  	_ =	swait.ge [sflag:s19], $0x2800  }
0x220: {  	s5 =	simm.s32 $0x200;
	s7 =	simm.s32 $0x100;
	[sflag:s19] =	ssyncset.done $0x0  }
.LBB2_4:
0x221: {  	s14 =	sadd.s32 s7, s11  }
0x222: {  	[sflag:s19] =	ssyncadd.s32 $0xFFFFD800;
	s7 =	smov.u32 s5;
	s12 =	sadd.s32 $0x100, s5  }
0x223: {  	[tilespmem:s15], [sflag:$0x4] =	stream.linear.gather [hbm4b:s14+s4], $0x800, $0x38;
	[tilespmem:$0x1A000] =	vst v63  }
0x224: {  	p0 =	sne.s32 s5, $0xF00;
	_ =	swait.ge [sflag:s13], $0x800  }
0x225: {  	[sflag:s13] =	ssyncset.done $0x0  }
0x226: {  	[sflag:s13] =	ssyncadd.s32 $0xFFFFF800  }
0x227: {  	[spmem:s2] =	stream.indirect.scatter.add.f32 [tilespmem:s17], [sflag:$0x1], $0x80, s15, s16, $0xb8;
	[tilespmem:$0x1A000] =	vst v63  }
0x228: {  	_ = 	snop  }
0x229: {  	[spmem:s2] =	stream.indirect.scatter.add.f32 [tilespmem:s17], [sflag:$0x1], $0x80, s22, s16, $0xb8;
	[tilespmem:$0x1A000] =	vst v63  }
0x22a: {  	_ = 	snop  }
0x22b: {  	[spmem:s2] =	stream.indirect.scatter.add.f32 [tilespmem:s17], [sflag:$0x1], $0x80, s23, s16, $0xb8;
	[tilespmem:$0x1A000] =	vst v63  }
0x22c: {  	_ = 	snop  }
0x22d: {  	[spmem:s2] =	stream.indirect.scatter.add.f32 [tilespmem:s17], [sflag:$0x1], $0x80, s24, s16, $0xb8;
	[tilespmem:$0x1A000] =	vst v63  }
0x22e: {  	_ =	swait.ge [sflag:s19], $0x2800  }
0x22f: {  	[sflag:s19] =	ssyncset.done $0x0  }
0x230: {  	[sflag:s19] =	ssyncadd.s32 $0xFFFFD800  }
0x231: {  	[spmem:s2] =	stream.indirect.scatter.add.f32 [tilespmem:s17], [sflag:$0x1], $0x80, s25, s16, $0xb8;
	[tilespmem:$0x1A000] =	vst v63  }
0x232: {  	_ =	swait.ge [sflag:s19], $0x2800  }
0x233: {  	[sflag:s19] =	ssyncset.done $0x0  }
0x234: {  	[sflag:s19] =	ssyncadd.s32 $0xFFFFD800  }
0x235: {  	[spmem:s2] =	stream.indirect.scatter.add.f32 [tilespmem:s17], [sflag:$0x1], $0x80, s26, s16, $0xb8;
	[tilespmem:$0x1A000] =	vst v63  }
0x236: {  	_ =	swait.ge [sflag:s19], $0x2800  }
0x237: {  	[sflag:s19] =	ssyncset.done $0x0  }
0x238: {  	[sflag:s19] =	ssyncadd.s32 $0xFFFFD800  }
0x239: {  	[spmem:s2] =	stream.indirect.scatter.add.f32 [tilespmem:s17], [sflag:$0x1], $0x80, s28, s16, $0xb8;
	[tilespmem:$0x1A000] =	vst v63  }
0x23a: {  	_ =	swait.ge [sflag:s19], $0x2800  }
0x23b: {  	[sflag:s19] =	ssyncset.done $0x0  }
0x23c: {  	[sflag:s19] =	ssyncadd.s32 $0xFFFFD800  }
0x23d: {  	[spmem:s2] =	stream.indirect.scatter.add.f32 [tilespmem:s17], [sflag:$0x1], $0x80, s29, s16, $0xb8;
	[tilespmem:$0x1A000] =	vst v63  }
0x23e: {  	_ =	swait.ge [sflag:s19], $0x2800  }
0x23f: {  	[sflag:s19] =	ssyncset.done $0x0  }
0x240: {  	[sflag:s19] =	ssyncadd.s32 $0xFFFFD800  }
0x241: {  	[spmem:s2] =	stream.indirect.scatter.add.f32 [tilespmem:s17], [sflag:$0x1], $0x80, s30, s16, $0xb8;
	[tilespmem:$0x1A000] =	vst v63  }
0x242: {  	_ =	swait.ge [sflag:s19], $0x2800  }
0x243: {  	[sflag:s19] =	ssyncset.done $0x0  }
0x244: {  	[sflag:s19] =	ssyncadd.s32 $0xFFFFD800  }
0x245: {  	[spmem:s2] =	stream.indirect.scatter.add.f32 [tilespmem:s17], [sflag:$0x1], $0x80, s31, s16, $0xb8;
	[tilespmem:$0x1A000] =	vst v63  }
0x246: {  	_ =	swait.ge [sflag:s19], $0x2800  }
0x247: {  	[sflag:s19] =	ssyncset.done $0x0  }
0x248: {  	[sflag:s19] =	ssyncadd.s32 $0xFFFFD800  }
0x249: {  	[spmem:s2] =	stream.indirect.scatter.add.f32 [tilespmem:s17], [sflag:$0x1], $0x80, s0, s16, $0xb8;
	[tilespmem:$0x1A000] =	vst v63  }
0x24a: {  	_ =	swait.ge [sflag:s19], $0x2800  }
0x24b: {  	[sflag:s19] =	ssyncset.done $0x0  }
0x24c: {  	[sflag:s19] =	ssyncadd.s32 $0xFFFFD800  }
0x24d: {  	[spmem:s2] =	stream.indirect.scatter.add.f32 [tilespmem:s17], [sflag:$0x1], $0x80, s3, s16, $0xb8;
	[tilespmem:$0x1A000] =	vst v63  }
0x24e: {  	_ =	swait.ge [sflag:s19], $0x2800  }
0x24f: {  	[sflag:s19] =	ssyncset.done $0x0  }
0x250: {  	[sflag:s19] =	ssyncadd.s32 $0xFFFFD800  }
0x251: {  	[spmem:s2] =	stream.indirect.scatter.add.f32 [tilespmem:s17], [sflag:$0x1], $0x80, s6, s16, $0xb8;
	[tilespmem:$0x1A000] =	vst v63  }
0x252: {  	_ =	swait.ge [sflag:s19], $0x2800  }
0x253: {  	[sflag:s19] =	ssyncset.done $0x0  }
0x254: {  	[sflag:s19] =	ssyncadd.s32 $0xFFFFD800  }
0x255: {  	[spmem:s2] =	stream.indirect.scatter.add.f32 [tilespmem:s17], [sflag:$0x1], $0x80, s8, s16, $0xb8;
	[tilespmem:$0x1A000] =	vst v63  }
0x256: {  	_ =	swait.ge [sflag:s19], $0x2800  }
0x257: {  	[sflag:s19] =	ssyncset.done $0x0  }
0x258: {  	[sflag:s19] =	ssyncadd.s32 $0xFFFFD800  }
0x259: {  	[spmem:s2] =	stream.indirect.scatter.add.f32 [tilespmem:s17], [sflag:$0x1], $0x80, s9, s16, $0xb8;
	[tilespmem:$0x1A000] =	vst v63  }
0x25a: {  	_ =	swait.ge [sflag:s19], $0x2800  }
0x25b: {  	[sflag:s19] =	ssyncset.done $0x0  }
0x25c: {  	[sflag:s19] =	ssyncadd.s32 $0xFFFFD800  }
0x25d: {  	[spmem:s2] =	stream.indirect.scatter.add.f32 [tilespmem:s17], [sflag:$0x1], $0x80, s10, s16, $0xb8;
	[tilespmem:$0x1A000] =	vst v63  }
0x25e: {  	_ =	swait.ge [sflag:s19], $0x2800  }
0x25f: {  	[sflag:s19] =	ssyncset.done $0x0  }
0x260: {  	[sflag:s19] =	ssyncadd.s32 $0xFFFFD800  }
0x261: {  	_ =	swait.ge [sflag:s19], $0x2800  }
0x262: {  	[sflag:s19] =	ssyncset.done $0x0  }
0x263: {  	[sflag:s19] =	ssyncadd.s32 $0xFFFFD800  }
.Ltmp1:
0x264: {  	_ =	swait.ge [sflag:s19], $0x2800;
	(pc) =	sbr.rel @p0 .LBB2_4-.Ltmp1, $4  }
0x265: {  	[sflag:s19] =	ssyncset.done $0x0  }
0x266: {  	[sflag:s19] =	ssyncadd.s32 $0xFFFFD800  }
0x267: {  	_ =	swait.ge [sflag:s19], $0x2800  }
0x268: {  	s5 =	smov.u32 s12;
	[sflag:s19] =	ssyncset.done $0x0  }
0x269: {  	s5 =	sadd.s32 s7, s11;
	[sflag:s19] =	ssyncadd.s32 $0xFFFFD800  }
0x26a: {  	[tilespmem:s15], [sflag:$0x4] =	stream.linear.gather [hbm4b:s5+s4], $0x800, $0x38;
	[tilespmem:$0x1A000] =	vst v63  }
0x26b: {  	_ =	swait.ge [sflag:s13], $0x800  }
0x26c: {  	[sflag:s13] =	ssyncset.done $0x0  }
0x26d: {  	[sflag:s13] =	ssyncadd.s32 $0xFFFFF800  }
0x26e: {  	[spmem:s2] =	stream.indirect.scatter.add.f32 [tilespmem:s17], [sflag:$0x1], $0x80, s15, s16, $0xb8;
	[tilespmem:$0x1A000] =	vst v63  }
0x26f: {  	_ = 	snop  }
0x270: {  	[spmem:s2] =	stream.indirect.scatter.add.f32 [tilespmem:s17], [sflag:$0x1], $0x80, s22, s16, $0xb8;
	[tilespmem:$0x1A000] =	vst v63  }
0x271: {  	_ = 	snop  }
0x272: {  	[spmem:s2] =	stream.indirect.scatter.add.f32 [tilespmem:s17], [sflag:$0x1], $0x80, s23, s16, $0xb8;
	[tilespmem:$0x1A000] =	vst v63  }
0x273: {  	_ = 	snop  }
0x274: {  	[spmem:s2] =	stream.indirect.scatter.add.f32 [tilespmem:s17], [sflag:$0x1], $0x80, s24, s16, $0xb8;
	[tilespmem:$0x1A000] =	vst v63  }
0x275: {  	_ =	swait.ge [sflag:s19], $0x2800  }
0x276: {  	[sflag:s19] =	ssyncset.done $0x0  }
0x277: {  	[sflag:s19] =	ssyncadd.s32 $0xFFFFD800  }
0x278: {  	[spmem:s2] =	stream.indirect.scatter.add.f32 [tilespmem:s17], [sflag:$0x1], $0x80, s25, s16, $0xb8;
	[tilespmem:$0x1A000] =	vst v63  }
0x279: {  	_ =	swait.ge [sflag:s19], $0x2800  }
0x27a: {  	[sflag:s19] =	ssyncset.done $0x0  }
0x27b: {  	[sflag:s19] =	ssyncadd.s32 $0xFFFFD800  }
0x27c: {  	[spmem:s2] =	stream.indirect.scatter.add.f32 [tilespmem:s17], [sflag:$0x1], $0x80, s26, s16, $0xb8;
	[tilespmem:$0x1A000] =	vst v63  }
0x27d: {  	_ =	swait.ge [sflag:s19], $0x2800  }
0x27e: {  	[sflag:s19] =	ssyncset.done $0x0  }
0x27f: {  	[sflag:s19] =	ssyncadd.s32 $0xFFFFD800  }
0x280: {  	[spmem:s2] =	stream.indirect.scatter.add.f32 [tilespmem:s17], [sflag:$0x1], $0x80, s28, s16, $0xb8;
	[tilespmem:$0x1A000] =	vst v63  }
0x281: {  	_ =	swait.ge [sflag:s19], $0x2800  }
0x282: {  	[sflag:s19] =	ssyncset.done $0x0  }
0x283: {  	[sflag:s19] =	ssyncadd.s32 $0xFFFFD800  }
0x284: {  	[spmem:s2] =	stream.indirect.scatter.add.f32 [tilespmem:s17], [sflag:$0x1], $0x80, s29, s16, $0xb8;
	[tilespmem:$0x1A000] =	vst v63  }
0x285: {  	_ =	swait.ge [sflag:s19], $0x2800  }
0x286: {  	[sflag:s19] =	ssyncset.done $0x0  }
0x287: {  	[sflag:s19] =	ssyncadd.s32 $0xFFFFD800  }
0x288: {  	[spmem:s2] =	stream.indirect.scatter.add.f32 [tilespmem:s17], [sflag:$0x1], $0x80, s30, s16, $0xb8;
	[tilespmem:$0x1A000] =	vst v63  }
0x289: {  	_ =	swait.ge [sflag:s19], $0x2800  }
0x28a: {  	[sflag:s19] =	ssyncset.done $0x0  }
0x28b: {  	[sflag:s19] =	ssyncadd.s32 $0xFFFFD800  }
0x28c: {  	[spmem:s2] =	stream.indirect.scatter.add.f32 [tilespmem:s17], [sflag:$0x1], $0x80, s31, s16, $0xb8;
	[tilespmem:$0x1A000] =	vst v63  }
0x28d: {  	_ =	swait.ge [sflag:s19], $0x2800  }
0x28e: {  	[sflag:s19] =	ssyncset.done $0x0  }
0x28f: {  	[sflag:s19] =	ssyncadd.s32 $0xFFFFD800  }
0x290: {  	[spmem:s2] =	stream.indirect.scatter.add.f32 [tilespmem:s17], [sflag:$0x1], $0x80, s0, s16, $0xb8;
	[tilespmem:$0x1A000] =	vst v63  }
0x291: {  	_ =	swait.ge [sflag:s19], $0x2800  }
0x292: {  	[sflag:s19] =	ssyncset.done $0x0  }
0x293: {  	[sflag:s19] =	ssyncadd.s32 $0xFFFFD800  }
0x294: {  	[spmem:s2] =	stream.indirect.scatter.add.f32 [tilespmem:s17], [sflag:$0x1], $0x80, s3, s16, $0xb8;
	[tilespmem:$0x1A000] =	vst v63  }
0x295: {  	_ =	swait.ge [sflag:s19], $0x2800  }
0x296: {  	[sflag:s19] =	ssyncset.done $0x0  }
0x297: {  	[sflag:s19] =	ssyncadd.s32 $0xFFFFD800  }
0x298: {  	[spmem:s2] =	stream.indirect.scatter.add.f32 [tilespmem:s17], [sflag:$0x1], $0x80, s6, s16, $0xb8;
	[tilespmem:$0x1A000] =	vst v63  }
0x299: {  	_ =	swait.ge [sflag:s19], $0x2800  }
0x29a: {  	[sflag:s19] =	ssyncset.done $0x0  }
0x29b: {  	[sflag:s19] =	ssyncadd.s32 $0xFFFFD800  }
0x29c: {  	[spmem:s2] =	stream.indirect.scatter.add.f32 [tilespmem:s17], [sflag:$0x1], $0x80, s8, s16, $0xb8;
	[tilespmem:$0x1A000] =	vst v63  }
0x29d: {  	_ =	swait.ge [sflag:s19], $0x2800  }
0x29e: {  	[sflag:s19] =	ssyncset.done $0x0  }
0x29f: {  	[sflag:s19] =	ssyncadd.s32 $0xFFFFD800  }
0x2a0: {  	[spmem:s2] =	stream.indirect.scatter.add.f32 [tilespmem:s17], [sflag:$0x1], $0x80, s9, s16, $0xb8;
	[tilespmem:$0x1A000] =	vst v63  }
0x2a1: {  	_ =	swait.ge [sflag:s19], $0x2800  }
0x2a2: {  	[sflag:s19] =	ssyncset.done $0x0  }
0x2a3: {  	[sflag:s19] =	ssyncadd.s32 $0xFFFFD800  }
0x2a4: {  	[spmem:s2] =	stream.indirect.scatter.add.f32 [tilespmem:s17], [sflag:$0x1], $0x80, s10, s16, $0xb8;
	[tilespmem:$0x1A000] =	vst v63  }
0x2a5: {  	_ =	swait.ge [sflag:s19], $0x2800  }
0x2a6: {  	[sflag:s19] =	ssyncset.done $0x0  }
0x2a7: {  	[sflag:s19] =	ssyncadd.s32 $0xFFFFD800  }
0x2a8: {  	_ =	swait.ge [sflag:s19], $0x2800  }
0x2a9: {  	[sflag:s19] =	ssyncset.done $0x0  }
0x2aa: {  	[sflag:s19] =	ssyncadd.s32 $0xFFFFD800  }
0x2ab: {  	_ =	swait.ge [sflag:s19], $0x2800  }
0x2ac: {  	[sflag:s19] =	ssyncset.done $0x0  }
0x2ad: {  	[sflag:s19] =	ssyncadd.s32 $0xFFFFD800  }
0x2ae: {  	_ =	swait.ge [sflag:s19], $0x2800  }
0x2af: {  	[sflag:s19] =	ssyncset.done $0x0  }
0x2b0: {  	[sflag:s19] =	ssyncadd.s32 $0xFFFFD800  }
0x2b1: {  	[bflag:$0x0] =	sbarrier.arrive $0xFFFF  }
0x2b2: {  	s12 =	rddreg [dreg:$0x17]  }
0x2b3: {  	s14 =	rddreg [dreg:$0x19]  }
0x2b4: {  	s7 =	rddreg [dreg:$0x1b]  }
0x2b5: {  	[hbm:s14], [sflag:s12] =	dma.local [spmem:s7], $0x2800  }
0x2b6: {  	_ =	swait.ge [sflag:s13], $0x2800  }
0x2b7: {  	s14 =	rddreg [dreg:$0x1c]  }
0x2b8: {  	s5 =	rddreg [dreg:$0x1a];
	s14 =	sadd.s32 $0x1, s14  }
0x2b9: {  	p0 =	sne.s32 s14, s5  }
.Ltmp2:
0x2ba: {  	_ = 	snop;
	(pc) =	sbr.rel @p0 .LBB2_1-.Ltmp2, $3  }
0x2bb: {  	_ =	sdelay $0x1  }
0x2bc: {  	[sflag:s13] =	ssyncset.done $0x0  }
0x2bd: {  	[sflag:s13] =	ssyncadd.s32 $0xFFFFD800;
	[dreg:$0x1c] =	wrdreg s14;
	s14 =	simm.s32 $0x14000  }
0x2be: {  	_ =	sfence.sel $0x180000  }
0x2bf: {  	[bflag:$0x0] =	sbarrier.arrive $0xFFFF  }
0x2c0: {  	_ =	strace $0x90000047  }
0x2c1: {  	s0 =	stileid.u32;
	[bflag:$0x2] =	sbarrier.arrive $0xFFFF  }
0x2c2: {  	p0 =	sne.s32 s0, $0x0;
	s0 =	rddreg [dreg:$0x4]  }
0x2c3: {  	s0 =	sadd.s32 @!p0 $0x100000, s0  }
0x2c4: {  	[sflag:s0] =	ssyncadd.tile.s32 @!p0 $0x1;
	_ =	shalt  }
.Lfunc_end2:
_tile_overlayer_lowered:
.L_overlay_start_2:
0x2c5: {  	(tag) =	ssettag $0x2  }
0x2c6: {  	s0 =	rddreg [dreg:$0x0];
	s2 =	stileid.u32  }
0x2c7: {  	s1 =	rddreg [dreg:$0x1];
	p0 =	sne.s32 s2, $0x0  }
0x2c8: {  	s3 =	rddreg [dreg:$0x2];
	[bflag:$0x3] =	sbarrier.arrive $0xFFFF;
	s2 =	simm.s32 @!p0 $0x1C04  }
0x2c9: {  	[timem:s3], [sflag:s2] =	dma.local @!p0 [hbm:s0], s1  }
0x2ca: {  	s0 =	simm.s32 @!p0 $0x4  }
0x2cb: {  	_ =	swait.ge @!p0 [sflag:s0], s1  }
0x2cc: {  	s1 =	ssub.s32 @!p0 $0x0, s1;
	[sflag:s0] =	ssyncset.done @!p0 $0x0  }
0x2cd: {  	[sflag:s0] =	ssyncadd.s32 @!p0 s1  }
0x2ce: {  	[bflag:$0x3] =	sbarrier.arrive $0xFFFF  }
0x2cf: {  	_ =	shalt  }

</sc_bundles>
